<compile_context>
chip_gen: v7x
topology: tpu7x:2x2x1
jax: 0.10.2.dev20260603
libtpu: 0.0.44.dev20260713+nightly
codegen_flags: <defaults>
</compile_context>

<pallas_src>
import math
import functools

import jax
import jax.numpy as jnp
from jax import lax
from jax.experimental import pallas as pl
from jax.experimental.pallas import tpu as pltpu
from jax.experimental.pallas import tpu_sc as plsc

VOCAB = 1000000
EMB = 32
SCALE = math.sqrt(float(EMB))

NC = 2
NS = 16
NW = NC * NS

SEQ = 200
NTOK = 4096
IW = NTOK // NW
K = 5
NCHUNK = SEQ // K
G = NCHUNK // 2
TPAD = 136

_mesh = plsc.VectorSubcoreMesh(core_axis_name="c", subcore_axis_name="s")


@functools.partial(
    pl.kernel,
    out_type=jax.ShapeDtypeStruct((SEQ, EMB // 8, NW, 8, IW), jnp.float32),
    mesh=_mesh,
    scratch_types=[
        pltpu.VMEM((K, IW), jnp.int32),
        pltpu.VMEM((K, IW), jnp.int32),
        pltpu.VMEM((K * IW, EMB), jnp.float32),
        pltpu.VMEM((K * IW, EMB), jnp.float32),
        pltpu.VMEM((K, EMB // 8, 8, TPAD), jnp.float32),
        pltpu.VMEM((K, EMB // 8, 8, TPAD), jnp.float32),
        pltpu.SemaphoreType.DMA,
        pltpu.SemaphoreType.DMA,
        pltpu.SemaphoreType.DMA,
        pltpu.SemaphoreType.DMA,
    ],
    compiler_params=pltpu.CompilerParams(
        use_tc_tiling_on_sc=False, needs_layout_passes=False
    ),
)
def _emb_kernel(tok_hbm, tab_hbm, out_hbm, idx0, idx1, rows0, rows1,
                tb0, tb1, sg0, sg1, sw0, sw1):
    wid = lax.axis_index("s") * NC + lax.axis_index("c")
    i0 = wid * IW
    idx = (idx0, idx1)
    rows = (rows0, rows1)
    tb = (tb0, tb1)
    sg = (sg0, sg1)
    sw = (sw0, sw1)

    ev = lax.iota(jnp.int32, 16)
    re_v = ev & 7

    def fire(ci, b):
        rb = ci * K
        pltpu.sync_copy(tok_hbm.at[pl.ds(rb, K), pl.ds(i0, IW)], idx[b])
        for j in range(K):
            pltpu.async_copy(
                tab_hbm.at[idx[b].at[j]],
                rows[b].at[pl.ds(j * IW, IW)],
                sg[b],
            )

    def drain_gather(b):
        pltpu.make_async_copy(
            tab_hbm.at[pl.ds(0, K * IW)],
            rows[b],
            sg[b],
        ).wait()

    def transpose_scale(b):
        for kk in range(K):
            kvec = jnp.full((16,), kk, dtype=jnp.int32)

            @plsc.parallel_loop(0, IW, step=1, unroll=4)
            def _(i):
                ivec = jnp.full((16,), i, dtype=jnp.int32)
                x0 = rows[b][kk * IW + i, pl.ds(0, 16)]
                plsc.store_scatter(tb[b], [kvec, ev >> 3, re_v, ivec], x0)
                x1 = rows[b][kk * IW + i, pl.ds(16, 16)]
                plsc.store_scatter(tb[b], [kvec, 2 + (ev >> 3), re_v, ivec], x1)

    def writeback(ci, b):
        rb = ci * K
        pltpu.async_copy(
            tb[b].at[:, :, :, pl.ds(0, IW)],
            out_hbm.at[pl.ds(rb, K), :, wid, :, :],
            sw[b],
        )

    def drain_wb(b):
        pltpu.make_async_copy(
            tb[b].at[:, :, :, pl.ds(0, IW)],
            out_hbm.at[pl.ds(0, K), :, 0, :, :],
            sw[b],
        ).wait()

    fire(0, 0)

    def outer(g, carry):
        ci0 = 2 * g

        @pl.when(g > 0)
        def _():
            drain_wb(1)

        fire(ci0 + 1, 1)
        drain_gather(0)
        transpose_scale(0)
        writeback(ci0, 0)

        drain_gather(1)
        transpose_scale(1)

        @pl.when(g < G - 1)
        def _():
            drain_wb(0)
            fire(ci0 + 2, 0)

        writeback(ci0 + 1, 1)
        return carry

    lax.fori_loop(0, G, outer, 0)
    drain_wb(0)
    drain_wb(1)


W = 16384
_NBLK = -(-VOCAB // (4 * W))
PROWS = _NBLK * W
_LAST_BLK = (VOCAB - 1) // W


def _tab_transpose_body(t0_ref, t1_ref, t2_ref, t3_ref, out_ref):
    x = jnp.concatenate(
        [t0_ref[...], t1_ref[...], t2_ref[...], t3_ref[...]], axis=0
    )
    out_ref[...] = jnp.transpose(x, (1, 0)) * SCALE


def _transpose_table(table_t):
    def _imap(r, g):
        return (0, jnp.minimum(4 * g + r, _LAST_BLK))

    specs = [
        pl.BlockSpec((EMB, W), functools.partial(_imap, r)) for r in range(4)
    ]
    return pl.pallas_call(
        _tab_transpose_body,
        grid=(_NBLK,),
        in_specs=specs,
        out_specs=pl.BlockSpec((W, 4 * EMB), lambda g: (g, 0)),
        out_shape=jax.ShapeDtypeStruct((PROWS, 4 * EMB), jnp.float32),
    )(table_t, table_t, table_t, table_t)


def kernel(tokens, table):
    v = tokens.T.astype(jnp.int32)
    _LW = W.bit_length() - 1
    tok_t = 4 * (((v >> (_LW + 2)) << _LW) + (v & (W - 1))) + ((v >> _LW) & 3)
    tab_rm = _transpose_table(table.T)
    tab2 = tab_rm.reshape(4 * PROWS, EMB)
    out5 = _emb_kernel(tok_t, tab2)
    out = jnp.transpose(out5, (2, 4, 0, 1, 3))
    return out.reshape(NTOK, SEQ, EMB)

# --- scband reference (transcript-rebuilt; emitter-appended) ---
"""Pipeline reference for scband-token-embedding-76424648065333 (READ-ONLY COPY).

The authoritative reference and input builder live on the scoring server;
editing this copy changes nothing except your own understanding.
"""

import jax, jax.numpy as jnp
import numpy as np
import math

VOCAB = 1000000
EMB = 32

def setup_inputs(seed: int = 0) -> dict:
    key = jax.random.key(seed)
    k1, k2 = jax.random.split(key)
    tokens = jax.random.randint(k1, (4096, 200), 0, VOCAB, dtype=jnp.int64 if jax.config.jax_enable_x64 else jnp.int32)
    table = jax.random.normal(k2, (VOCAB, EMB), dtype=jnp.float32)
    return {"tokens": tokens, "table": table}

def reference(tokens, table):
    # TokenEmbedding.forward: embedding(tokens.long()) * sqrt(emb_size)
    emb = jnp.take(table, tokens, axis=0)
    return emb * math.sqrt(EMB)

if __name__ == "__main__":
    import jax
    _d = setup_inputs()
    print(jax.jit(kernel)(*tuple(_d.values())))

</pallas_src>

<mosaic_0001>
#map = affine_map<(d0, d1) -> (0, 0)>
#map1 = affine_map<(d0, d1) -> (0, 0, 0, 0, 0)>
module attributes {stable_mosaic.version = 14 : i64} {
  func.func @_emb_kernel(%arg0: i32, %arg1: i32, %arg2: memref<200x4096xi32, #tpu.memory_space<hbm>>, %arg3: memref<1048576x32xf32, #tpu.memory_space<hbm>>, %arg4: memref<200x4x32x8x128xf32, #tpu.memory_space<hbm>>, %arg5: memref<5x128xi32, #tpu.memory_space<vmem>>, %arg6: memref<5x128xi32, #tpu.memory_space<vmem>>, %arg7: memref<640x32xf32, #tpu.memory_space<vmem>>, %arg8: memref<640x32xf32, #tpu.memory_space<vmem>>, %arg9: memref<5x4x8x136xf32, #tpu.memory_space<vmem>>, %arg10: memref<5x4x8x136xf32, #tpu.memory_space<vmem>>, %arg11: memref<!tpu.dma_semaphore, #tpu.memory_space<semaphore_mem>>, %arg12: memref<!tpu.dma_semaphore, #tpu.memory_space<semaphore_mem>>, %arg13: memref<!tpu.dma_semaphore, #tpu.memory_space<semaphore_mem>>, %arg14: memref<!tpu.dma_semaphore, #tpu.memory_space<semaphore_mem>>) attributes {dimension_semantics = [#tpu.dimension_semantics<core_parallel>, #tpu.dimension_semantics<subcore_parallel>], iteration_bounds = array<i64: 2, 16>, scalar_prefetch = 0 : i64, scratch_operands = 10 : i64, tpu.core_type = #tpu.core_type<sc_vector_subcore>, window_params = [{transform_indices = #map}, {transform_indices = #map}, {transform_indices = #map1}]} {
    %mul3A = arith.constant 2 : i32
    %mul3A_0 = arith.muli %arg1, %mul3A : i32
    %add3A = arith.addi %mul3A_0, %arg0 : i32
    %mul3A_1 = arith.constant 128 : i32
    %mul3A_2 = arith.muli %add3A, %mul3A_1 : i32
    %iota3A = tpu.iota {dimensions = array<i32: 0>} : vector<16xi32>
    %and3A = arith.constant 7 : i32
    %and3A_3 = vector.broadcast %and3A : i32 to vector<16xi32>
    %and3A_4 = arith.andi %iota3A, %and3A_3 : vector<16xi32>
    "tpu.region"() ({
      %run_scoped3A = tpu.sem_alloc : memref<!tpu.dma_semaphore, #tpu.memory_space<semaphore_mem>>
      %dma_start3A_104 = arith.constant 0 : i32
      %dma_start3A_105 = tpu.memref_slice %arg2[%dma_start3A_104, %mul3A_2] : memref<200x4096xi32, #tpu.memory_space<hbm>> -> memref<5x128xi32, #tpu.memory_space<hbm>>
      %dma_start3A_106 = arith.constant 0 : i32
      %dma_start3A_107 = tpu.memref_slice %arg2[%dma_start3A_106, %mul3A_2] : memref<200x4096xi32, #tpu.memory_space<hbm>> -> memref<5x128xi32, #tpu.memory_space<hbm>>
      tpu.enqueue_dma source(%dma_start3A_107 : memref<5x128xi32, #tpu.memory_space<hbm>>) target(%arg5 : memref<5x128xi32, #tpu.memory_space<vmem>>) target_semaphore(%run_scoped3A : memref<!tpu.dma_semaphore, #tpu.memory_space<semaphore_mem>>)
      %dma_wait3A_108 = arith.constant 0 : i32
      %dma_wait3A_109 = tpu.memref_slice %arg2[%dma_wait3A_108, %mul3A_2] : memref<200x4096xi32, #tpu.memory_space<hbm>> -> memref<5x128xi32, #tpu.memory_space<hbm>>
      %dma_wait3A_110 = arith.constant 0 : i32
      %dma_wait3A_111 = tpu.memref_slice %arg2[%dma_wait3A_110, %mul3A_2] : memref<200x4096xi32, #tpu.memory_space<hbm>> -> memref<5x128xi32, #tpu.memory_space<hbm>>
      tpu.wait_dma2 semaphore(%run_scoped3A : memref<!tpu.dma_semaphore, #tpu.memory_space<semaphore_mem>>) src(%dma_wait3A_111 : memref<5x128xi32, #tpu.memory_space<hbm>>) dst(%arg5 : memref<5x128xi32, #tpu.memory_space<vmem>>)
      tpu.yield
    }) : () -> ()
    %dma_start3A = arith.constant 0 : i32
    %dma_start3A_5 = arith.constant 0 : i32
    %dma_start3A_6 = arith.constant 0 : i32
    %dma_start3A_7 = tpu.memref_slice %arg7[%dma_start3A_5, %dma_start3A_6] : memref<640x32xf32, #tpu.memory_space<vmem>> -> memref<128x32xf32, #tpu.memory_space<vmem>>
    %dma_start3A_8 = arith.constant 0 : i32
    %dma_start3A_9 = tpu.memref_slice %arg5[%dma_start3A, %dma_start3A_8] : memref<5x128xi32, #tpu.memory_space<vmem>> -> memref<1x128xi32, #tpu.memory_space<vmem>>
    %dma_start3A_10 = tpu.memref_squeeze %dma_start3A_9 : memref<1x128xi32, #tpu.memory_space<vmem>> -> memref<128xi32, #tpu.memory_space<vmem>>
    %dma_start3A_11 = arith.constant 0 : i32
    %dma_start3A_12 = arith.constant 0 : i32
    %dma_start3A_13 = tpu.memref_slice %arg3[%dma_start3A_11, %dma_start3A_12] : memref<1048576x32xf32, #tpu.memory_space<hbm>> -> memref<1048576x32xf32, #tpu.memory_space<hbm>>
    tpu.enqueue_indirect_dma source(%dma_start3A_13 : memref<1048576x32xf32, #tpu.memory_space<hbm>>) target(%dma_start3A_7 : memref<128x32xf32, #tpu.memory_space<vmem>>) offsets(%dma_start3A_10 : memref<128xi32, #tpu.memory_space<vmem>>) semaphore(%arg11 : memref<!tpu.dma_semaphore, #tpu.memory_space<semaphore_mem>>)
    %dma_start3A_14 = arith.constant 1 : i32
    %dma_start3A_15 = arith.constant 128 : i32
    %dma_start3A_16 = arith.constant 0 : i32
    %dma_start3A_17 = tpu.memref_slice %arg7[%dma_start3A_15, %dma_start3A_16] : memref<640x32xf32, #tpu.memory_space<vmem>> -> memref<128x32xf32, #tpu.memory_space<vmem>>
    %dma_start3A_18 = arith.constant 0 : i32
    %dma_start3A_19 = tpu.memref_slice %arg5[%dma_start3A_14, %dma_start3A_18] : memref<5x128xi32, #tpu.memory_space<vmem>> -> memref<1x128xi32, #tpu.memory_space<vmem>>
    %dma_start3A_20 = tpu.memref_squeeze %dma_start3A_19 : memref<1x128xi32, #tpu.memory_space<vmem>> -> memref<128xi32, #tpu.memory_space<vmem>>
    %dma_start3A_21 = arith.constant 0 : i32
    %dma_start3A_22 = arith.constant 0 : i32
    %dma_start3A_23 = tpu.memref_slice %arg3[%dma_start3A_21, %dma_start3A_22] : memref<1048576x32xf32, #tpu.memory_space<hbm>> -> memref<1048576x32xf32, #tpu.memory_space<hbm>>
    tpu.enqueue_indirect_dma source(%dma_start3A_23 : memref<1048576x32xf32, #tpu.memory_space<hbm>>) target(%dma_start3A_17 : memref<128x32xf32, #tpu.memory_space<vmem>>) offsets(%dma_start3A_20 : memref<128xi32, #tpu.memory_space<vmem>>) semaphore(%arg11 : memref<!tpu.dma_semaphore, #tpu.memory_space<semaphore_mem>>)
    %dma_start3A_24 = arith.constant 2 : i32
    %dma_start3A_25 = arith.constant 256 : i32
    %dma_start3A_26 = arith.constant 0 : i32
    %dma_start3A_27 = tpu.memref_slice %arg7[%dma_start3A_25, %dma_start3A_26] : memref<640x32xf32, #tpu.memory_space<vmem>> -> memref<128x32xf32, #tpu.memory_space<vmem>>
    %dma_start3A_28 = arith.constant 0 : i32
    %dma_start3A_29 = tpu.memref_slice %arg5[%dma_start3A_24, %dma_start3A_28] : memref<5x128xi32, #tpu.memory_space<vmem>> -> memref<1x128xi32, #tpu.memory_space<vmem>>
    %dma_start3A_30 = tpu.memref_squeeze %dma_start3A_29 : memref<1x128xi32, #tpu.memory_space<vmem>> -> memref<128xi32, #tpu.memory_space<vmem>>
    %dma_start3A_31 = arith.constant 0 : i32
    %dma_start3A_32 = arith.constant 0 : i32
    %dma_start3A_33 = tpu.memref_slice %arg3[%dma_start3A_31, %dma_start3A_32] : memref<1048576x32xf32, #tpu.memory_space<hbm>> -> memref<1048576x32xf32, #tpu.memory_space<hbm>>
    tpu.enqueue_indirect_dma source(%dma_start3A_33 : memref<1048576x32xf32, #tpu.memory_space<hbm>>) target(%dma_start3A_27 : memref<128x32xf32, #tpu.memory_space<vmem>>) offsets(%dma_start3A_30 : memref<128xi32, #tpu.memory_space<vmem>>) semaphore(%arg11 : memref<!tpu.dma_semaphore, #tpu.memory_space<semaphore_mem>>)
    %dma_start3A_34 = arith.constant 3 : i32
    %dma_start3A_35 = arith.constant 384 : i32
    %dma_start3A_36 = arith.constant 0 : i32
    %dma_start3A_37 = tpu.memref_slice %arg7[%dma_start3A_35, %dma_start3A_36] : memref<640x32xf32, #tpu.memory_space<vmem>> -> memref<128x32xf32, #tpu.memory_space<vmem>>
    %dma_start3A_38 = arith.constant 0 : i32
    %dma_start3A_39 = tpu.memref_slice %arg5[%dma_start3A_34, %dma_start3A_38] : memref<5x128xi32, #tpu.memory_space<vmem>> -> memref<1x128xi32, #tpu.memory_space<vmem>>
    %dma_start3A_40 = tpu.memref_squeeze %dma_start3A_39 : memref<1x128xi32, #tpu.memory_space<vmem>> -> memref<128xi32, #tpu.memory_space<vmem>>
    %dma_start3A_41 = arith.constant 0 : i32
    %dma_start3A_42 = arith.constant 0 : i32
    %dma_start3A_43 = tpu.memref_slice %arg3[%dma_start3A_41, %dma_start3A_42] : memref<1048576x32xf32, #tpu.memory_space<hbm>> -> memref<1048576x32xf32, #tpu.memory_space<hbm>>
    tpu.enqueue_indirect_dma source(%dma_start3A_43 : memref<1048576x32xf32, #tpu.memory_space<hbm>>) target(%dma_start3A_37 : memref<128x32xf32, #tpu.memory_space<vmem>>) offsets(%dma_start3A_40 : memref<128xi32, #tpu.memory_space<vmem>>) semaphore(%arg11 : memref<!tpu.dma_semaphore, #tpu.memory_space<semaphore_mem>>)
    %dma_start3A_44 = arith.constant 4 : i32
    %dma_start3A_45 = arith.constant 512 : i32
    %dma_start3A_46 = arith.constant 0 : i32
    %dma_start3A_47 = tpu.memref_slice %arg7[%dma_start3A_45, %dma_start3A_46] : memref<640x32xf32, #tpu.memory_space<vmem>> -> memref<128x32xf32, #tpu.memory_space<vmem>>
    %dma_start3A_48 = arith.constant 0 : i32
    %dma_start3A_49 = tpu.memref_slice %arg5[%dma_start3A_44, %dma_start3A_48] : memref<5x128xi32, #tpu.memory_space<vmem>> -> memref<1x128xi32, #tpu.memory_space<vmem>>
    %dma_start3A_50 = tpu.memref_squeeze %dma_start3A_49 : memref<1x128xi32, #tpu.memory_space<vmem>> -> memref<128xi32, #tpu.memory_space<vmem>>
    %dma_start3A_51 = arith.constant 0 : i32
    %dma_start3A_52 = arith.constant 0 : i32
    %dma_start3A_53 = tpu.memref_slice %arg3[%dma_start3A_51, %dma_start3A_52] : memref<1048576x32xf32, #tpu.memory_space<hbm>> -> memref<1048576x32xf32, #tpu.memory_space<hbm>>
    tpu.enqueue_indirect_dma source(%dma_start3A_53 : memref<1048576x32xf32, #tpu.memory_space<hbm>>) target(%dma_start3A_47 : memref<128x32xf32, #tpu.memory_space<vmem>>) offsets(%dma_start3A_50 : memref<128xi32, #tpu.memory_space<vmem>>) semaphore(%arg11 : memref<!tpu.dma_semaphore, #tpu.memory_space<semaphore_mem>>)
    %scan3A = arith.constant 0 : i32
    %scan3A_54 = arith.constant 0 : i32
    %scan3A_55 = arith.constant 20 : i32
    %scan3A_56 = arith.addi %scan3A_54, %scan3A_55 : i32
    %scan3A_57 = arith.constant 1 : i32
    scf.for %scan3A_104 = %scan3A_54 to %scan3A_56 step %scan3A_57  : i32 {
      %mul3A_105 = arith.constant 2 : i32
      %mul3A_106 = arith.muli %mul3A_105, %scan3A_104 : i32
      %gt3A = arith.constant 0 : i32
      %gt3A_107 = arith.cmpi sgt, %scan3A_104, %gt3A : i32
      %convert_element_type3A = arith.extui %gt3A_107 : i1 to i32
      %cond3A = arith.constant 0 : i32
      %cond3A_108 = arith.cmpi ne, %convert_element_type3A, %cond3A : i32
      scf.if %cond3A_108 {
        %dma_wait3A_273 = arith.constant 0 : i32
        %dma_wait3A_274 = arith.constant 0 : i32
        %dma_wait3A_275 = arith.constant 0 : i32
        %dma_wait3A_276 = arith.constant 0 : i32
        %dma_wait3A_277 = arith.constant 0 : i32
        %dma_wait3A_278 = tpu.memref_slice %arg10[%dma_wait3A_274, %dma_wait3A_275, %dma_wait3A_276, %dma_wait3A_277] : memref<5x4x8x136xf32, #tpu.memory_space<vmem>> -> memref<5x4x8x128xf32, #tpu.memory_space<vmem>>
        %dma_wait3A_279 = arith.constant 0 : i32
        %dma_wait3A_280 = arith.constant 0 : i32
        %dma_wait3A_281 = arith.constant 0 : i32
        %dma_wait3A_282 = arith.constant 0 : i32
        %dma_wait3A_283 = tpu.memref_slice %arg4[%dma_wait3A_279, %dma_wait3A_280, %dma_wait3A_273, %dma_wait3A_281, %dma_wait3A_282] : memref<200x4x32x8x128xf32, #tpu.memory_space<hbm>> -> memref<5x4x1x8x128xf32, #tpu.memory_space<hbm>>
        %dma_wait3A_284 = tpu.memref_squeeze %dma_wait3A_283 : memref<5x4x1x8x128xf32, #tpu.memory_space<hbm>> -> memref<5x4x8x128xf32, #tpu.memory_space<hbm>>
        %dma_wait3A_285 = arith.constant 0 : i32
        %dma_wait3A_286 = arith.constant 0 : i32
        %dma_wait3A_287 = arith.constant 0 : i32
        %dma_wait3A_288 = arith.constant 0 : i32
        %dma_wait3A_289 = tpu.memref_slice %arg4[%dma_wait3A_285, %dma_wait3A_286, %dma_wait3A_273, %dma_wait3A_287, %dma_wait3A_288] : memref<200x4x32x8x128xf32, #tpu.memory_space<hbm>> -> memref<5x4x1x8x128xf32, #tpu.memory_space<hbm>>
        %dma_wait3A_290 = tpu.memref_squeeze %dma_wait3A_289 : memref<5x4x1x8x128xf32, #tpu.memory_space<hbm>> -> memref<5x4x8x128xf32, #tpu.memory_space<hbm>>
        %dma_wait3A_291 = arith.constant 0 : i32
        %dma_wait3A_292 = arith.constant 0 : i32
        %dma_wait3A_293 = arith.constant 0 : i32
        %dma_wait3A_294 = arith.constant 0 : i32
        %dma_wait3A_295 = tpu.memref_slice %arg10[%dma_wait3A_291, %dma_wait3A_292, %dma_wait3A_293, %dma_wait3A_294] : memref<5x4x8x136xf32, #tpu.memory_space<vmem>> -> memref<5x4x8x128xf32, #tpu.memory_space<vmem>>
        tpu.wait_dma2 semaphore(%arg14 : memref<!tpu.dma_semaphore, #tpu.memory_space<semaphore_mem>>) src(%dma_wait3A_295 : memref<5x4x8x128xf32, #tpu.memory_space<vmem>>) dst(%dma_wait3A_290 : memref<5x4x8x128xf32, #tpu.memory_space<hbm>>)
      } else {
      }
      %add3A_109 = arith.constant 1 : i32
      %add3A_110 = arith.addi %mul3A_106, %add3A_109 : i32
      %mul3A_111 = arith.constant 5 : i32
      %mul3A_112 = arith.muli %add3A_110, %mul3A_111 : i32
      "tpu.region"() ({
        %run_scoped3A = tpu.sem_alloc : memref<!tpu.dma_semaphore, #tpu.memory_space<semaphore_mem>>
        %dma_start3A_273 = tpu.memref_slice %arg2[%mul3A_112, %mul3A_2] : memref<200x4096xi32, #tpu.memory_space<hbm>> -> memref<5x128xi32, #tpu.memory_space<hbm>>
        %dma_start3A_274 = tpu.memref_slice %arg2[%mul3A_112, %mul3A_2] : memref<200x4096xi32, #tpu.memory_space<hbm>> -> memref<5x128xi32, #tpu.memory_space<hbm>>
        tpu.enqueue_dma source(%dma_start3A_274 : memref<5x128xi32, #tpu.memory_space<hbm>>) target(%arg6 : memref<5x128xi32, #tpu.memory_space<vmem>>) target_semaphore(%run_scoped3A : memref<!tpu.dma_semaphore, #tpu.memory_space<semaphore_mem>>)
        %dma_wait3A_275 = tpu.memref_slice %arg2[%mul3A_112, %mul3A_2] : memref<200x4096xi32, #tpu.memory_space<hbm>> -> memref<5x128xi32, #tpu.memory_space<hbm>>
        %dma_wait3A_276 = tpu.memref_slice %arg2[%mul3A_112, %mul3A_2] : memref<200x4096xi32, #tpu.memory_space<hbm>> -> memref<5x128xi32, #tpu.memory_space<hbm>>
        tpu.wait_dma2 semaphore(%run_scoped3A : memref<!tpu.dma_semaphore, #tpu.memory_space<semaphore_mem>>) src(%dma_wait3A_276 : memref<5x128xi32, #tpu.memory_space<hbm>>) dst(%arg6 : memref<5x128xi32, #tpu.memory_space<vmem>>)
        tpu.yield
      }) : () -> ()
      %dma_start3A_113 = arith.constant 0 : i32
      %dma_start3A_114 = arith.constant 0 : i32
      %dma_start3A_115 = arith.constant 0 : i32
      %dma_start3A_116 = tpu.memref_slice %arg8[%dma_start3A_114, %dma_start3A_115] : memref<640x32xf32, #tpu.memory_space<vmem>> -> memref<128x32xf32, #tpu.memory_space<vmem>>
      %dma_start3A_117 = arith.constant 0 : i32
      %dma_start3A_118 = tpu.memref_slice %arg6[%dma_start3A_113, %dma_start3A_117] : memref<5x128xi32, #tpu.memory_space<vmem>> -> memref<1x128xi32, #tpu.memory_space<vmem>>
      %dma_start3A_119 = tpu.memref_squeeze %dma_start3A_118 : memref<1x128xi32, #tpu.memory_space<vmem>> -> memref<128xi32, #tpu.memory_space<vmem>>
      %dma_start3A_120 = arith.constant 0 : i32
      %dma_start3A_121 = arith.constant 0 : i32
      %dma_start3A_122 = tpu.memref_slice %arg3[%dma_start3A_120, %dma_start3A_121] : memref<1048576x32xf32, #tpu.memory_space<hbm>> -> memref<1048576x32xf32, #tpu.memory_space<hbm>>
      tpu.enqueue_indirect_dma source(%dma_start3A_122 : memref<1048576x32xf32, #tpu.memory_space<hbm>>) target(%dma_start3A_116 : memref<128x32xf32, #tpu.memory_space<vmem>>) offsets(%dma_start3A_119 : memref<128xi32, #tpu.memory_space<vmem>>) semaphore(%arg12 : memref<!tpu.dma_semaphore, #tpu.memory_space<semaphore_mem>>)
      %dma_start3A_123 = arith.constant 1 : i32
      %dma_start3A_124 = arith.constant 128 : i32
      %dma_start3A_125 = arith.constant 0 : i32
      %dma_start3A_126 = tpu.memref_slice %arg8[%dma_start3A_124, %dma_start3A_125] : memref<640x32xf32, #tpu.memory_space<vmem>> -> memref<128x32xf32, #tpu.memory_space<vmem>>
      %dma_start3A_127 = arith.constant 0 : i32
      %dma_start3A_128 = tpu.memref_slice %arg6[%dma_start3A_123, %dma_start3A_127] : memref<5x128xi32, #tpu.memory_space<vmem>> -> memref<1x128xi32, #tpu.memory_space<vmem>>
      %dma_start3A_129 = tpu.memref_squeeze %dma_start3A_128 : memref<1x128xi32, #tpu.memory_space<vmem>> -> memref<128xi32, #tpu.memory_space<vmem>>
      %dma_start3A_130 = arith.constant 0 : i32
      %dma_start3A_131 = arith.constant 0 : i32
      %dma_start3A_132 = tpu.memref_slice %arg3[%dma_start3A_130, %dma_start3A_131] : memref<1048576x32xf32, #tpu.memory_space<hbm>> -> memref<1048576x32xf32, #tpu.memory_space<hbm>>
      tpu.enqueue_indirect_dma source(%dma_start3A_132 : memref<1048576x32xf32, #tpu.memory_space<hbm>>) target(%dma_start3A_126 : memref<128x32xf32, #tpu.memory_space<vmem>>) offsets(%dma_start3A_129 : memref<128xi32, #tpu.memory_space<vmem>>) semaphore(%arg12 : memref<!tpu.dma_semaphore, #tpu.memory_space<semaphore_mem>>)
      %dma_start3A_133 = arith.constant 2 : i32
      %dma_start3A_134 = arith.constant 256 : i32
      %dma_start3A_135 = arith.constant 0 : i32
      %dma_start3A_136 = tpu.memref_slice %arg8[%dma_start3A_134, %dma_start3A_135] : memref<640x32xf32, #tpu.memory_space<vmem>> -> memref<128x32xf32, #tpu.memory_space<vmem>>
      %dma_start3A_137 = arith.constant 0 : i32
      %dma_start3A_138 = tpu.memref_slice %arg6[%dma_start3A_133, %dma_start3A_137] : memref<5x128xi32, #tpu.memory_space<vmem>> -> memref<1x128xi32, #tpu.memory_space<vmem>>
      %dma_start3A_139 = tpu.memref_squeeze %dma_start3A_138 : memref<1x128xi32, #tpu.memory_space<vmem>> -> memref<128xi32, #tpu.memory_space<vmem>>
      %dma_start3A_140 = arith.constant 0 : i32
      %dma_start3A_141 = arith.constant 0 : i32
      %dma_start3A_142 = tpu.memref_slice %arg3[%dma_start3A_140, %dma_start3A_141] : memref<1048576x32xf32, #tpu.memory_space<hbm>> -> memref<1048576x32xf32, #tpu.memory_space<hbm>>
      tpu.enqueue_indirect_dma source(%dma_start3A_142 : memref<1048576x32xf32, #tpu.memory_space<hbm>>) target(%dma_start3A_136 : memref<128x32xf32, #tpu.memory_space<vmem>>) offsets(%dma_start3A_139 : memref<128xi32, #tpu.memory_space<vmem>>) semaphore(%arg12 : memref<!tpu.dma_semaphore, #tpu.memory_space<semaphore_mem>>)
      %dma_start3A_143 = arith.constant 3 : i32
      %dma_start3A_144 = arith.constant 384 : i32
      %dma_start3A_145 = arith.constant 0 : i32
      %dma_start3A_146 = tpu.memref_slice %arg8[%dma_start3A_144, %dma_start3A_145] : memref<640x32xf32, #tpu.memory_space<vmem>> -> memref<128x32xf32, #tpu.memory_space<vmem>>
      %dma_start3A_147 = arith.constant 0 : i32
      %dma_start3A_148 = tpu.memref_slice %arg6[%dma_start3A_143, %dma_start3A_147] : memref<5x128xi32, #tpu.memory_space<vmem>> -> memref<1x128xi32, #tpu.memory_space<vmem>>
      %dma_start3A_149 = tpu.memref_squeeze %dma_start3A_148 : memref<1x128xi32, #tpu.memory_space<vmem>> -> memref<128xi32, #tpu.memory_space<vmem>>
      %dma_start3A_150 = arith.constant 0 : i32
      %dma_start3A_151 = arith.constant 0 : i32
      %dma_start3A_152 = tpu.memref_slice %arg3[%dma_start3A_150, %dma_start3A_151] : memref<1048576x32xf32, #tpu.memory_space<hbm>> -> memref<1048576x32xf32, #tpu.memory_space<hbm>>
      tpu.enqueue_indirect_dma source(%dma_start3A_152 : memref<1048576x32xf32, #tpu.memory_space<hbm>>) target(%dma_start3A_146 : memref<128x32xf32, #tpu.memory_space<vmem>>) offsets(%dma_start3A_149 : memref<128xi32, #tpu.memory_space<vmem>>) semaphore(%arg12 : memref<!tpu.dma_semaphore, #tpu.memory_space<semaphore_mem>>)
      %dma_start3A_153 = arith.constant 4 : i32
      %dma_start3A_154 = arith.constant 512 : i32
      %dma_start3A_155 = arith.constant 0 : i32
      %dma_start3A_156 = tpu.memref_slice %arg8[%dma_start3A_154, %dma_start3A_155] : memref<640x32xf32, #tpu.memory_space<vmem>> -> memref<128x32xf32, #tpu.memory_space<vmem>>
      %dma_start3A_157 = arith.constant 0 : i32
      %dma_start3A_158 = tpu.memref_slice %arg6[%dma_start3A_153, %dma_start3A_157] : memref<5x128xi32, #tpu.memory_space<vmem>> -> memref<1x128xi32, #tpu.memory_space<vmem>>
      %dma_start3A_159 = tpu.memref_squeeze %dma_start3A_158 : memref<1x128xi32, #tpu.memory_space<vmem>> -> memref<128xi32, #tpu.memory_space<vmem>>
      %dma_start3A_160 = arith.constant 0 : i32
      %dma_start3A_161 = arith.constant 0 : i32
      %dma_start3A_162 = tpu.memref_slice %arg3[%dma_start3A_160, %dma_start3A_161] : memref<1048576x32xf32, #tpu.memory_space<hbm>> -> memref<1048576x32xf32, #tpu.memory_space<hbm>>
      tpu.enqueue_indirect_dma source(%dma_start3A_162 : memref<1048576x32xf32, #tpu.memory_space<hbm>>) target(%dma_start3A_156 : memref<128x32xf32, #tpu.memory_space<vmem>>) offsets(%dma_start3A_159 : memref<128xi32, #tpu.memory_space<vmem>>) semaphore(%arg12 : memref<!tpu.dma_semaphore, #tpu.memory_space<semaphore_mem>>)
      %dma_wait3A_163 = arith.constant 0 : i32
      %dma_wait3A_164 = arith.constant 0 : i32
      %dma_wait3A_165 = tpu.memref_slice %arg3[%dma_wait3A_163, %dma_wait3A_164] : memref<1048576x32xf32, #tpu.memory_space<hbm>> -> memref<640x32xf32, #tpu.memory_space<hbm>>
      %dma_wait3A_166 = arith.constant 0 : i32
      %dma_wait3A_167 = arith.constant 0 : i32
      %dma_wait3A_168 = tpu.memref_slice %arg3[%dma_wait3A_166, %dma_wait3A_167] : memref<1048576x32xf32, #tpu.memory_space<hbm>> -> memref<640x32xf32, #tpu.memory_space<hbm>>
      tpu.wait_dma2 semaphore(%arg11 : memref<!tpu.dma_semaphore, #tpu.memory_space<semaphore_mem>>) src(%dma_wait3A_168 : memref<640x32xf32, #tpu.memory_space<hbm>>) dst(%arg7 : memref<640x32xf32, #tpu.memory_space<vmem>>)
      %broadcast_in_dim3A = arith.constant 0 : i32
      %broadcast_in_dim3A_169 = vector.broadcast %broadcast_in_dim3A : i32 to vector<16xi32>
      %parallel_loop3A = arith.constant 0 : i32
      %parallel_loop3A_170 = arith.constant 128 : i32
      %parallel_loop3A_171 = arith.constant 1 : i32
      scf.for %parallel_loop3A_273 = %parallel_loop3A to %parallel_loop3A_170 step %parallel_loop3A_171  : i32 {
        %parallel_loop3A_274 = vector.broadcast %parallel_loop3A_273 : i32 to vector<16xi32>
        %parallel_loop3A_275 = arith.constant 0 : i32
        %parallel_loop3A_276 = arith.addi %parallel_loop3A_275, %parallel_loop3A_273 : i32
        %parallel_loop3A_277 = arith.index_cast %parallel_loop3A_276 : i32 to index
        %parallel_loop3A_278 = arith.constant 0 : index
        %parallel_loop3A_279 = tpu.vector_load %arg7[%parallel_loop3A_277, %parallel_loop3A_278] {strides = array<i32>} : memref<640x32xf32, #tpu.memory_space<vmem>>, vector<16xf32>,
        %parallel_loop3A_280 = arith.constant 3 : i32
        %parallel_loop3A_281 = vector.broadcast %parallel_loop3A_280 : i32 to vector<16xi32>
        %parallel_loop3A_282 = arith.shrsi %iota3A, %parallel_loop3A_281 : vector<16xi32>
        tpu.vector_store_idx %arg9[%broadcast_in_dim3A_169, %parallel_loop3A_282, %and3A_4, %parallel_loop3A_274], %parallel_loop3A_279 : memref<5x4x8x136xf32, #tpu.memory_space<vmem>>[vector<16xi32>, vector<16xi32>, vector<16xi32>, vector<16xi32>], vector<16xf32>,
        %parallel_loop3A_283 = arith.constant 0 : i32
        %parallel_loop3A_284 = arith.addi %parallel_loop3A_283, %parallel_loop3A_273 : i32
        %parallel_loop3A_285 = arith.index_cast %parallel_loop3A_284 : i32 to index
        %parallel_loop3A_286 = arith.constant 16 : index
        %parallel_loop3A_287 = tpu.vector_load %arg7[%parallel_loop3A_285, %parallel_loop3A_286] {strides = array<i32>} : memref<640x32xf32, #tpu.memory_space<vmem>>, vector<16xf32>,
        %parallel_loop3A_288 = arith.constant 3 : i32
        %parallel_loop3A_289 = vector.broadcast %parallel_loop3A_288 : i32 to vector<16xi32>
        %parallel_loop3A_290 = arith.shrsi %iota3A, %parallel_loop3A_289 : vector<16xi32>
        %parallel_loop3A_291 = arith.constant 2 : i32
        %parallel_loop3A_292 = vector.broadcast %parallel_loop3A_291 : i32 to vector<16xi32>
        %parallel_loop3A_293 = arith.addi %parallel_loop3A_292, %parallel_loop3A_290 : vector<16xi32>
        tpu.vector_store_idx %arg9[%broadcast_in_dim3A_169, %parallel_loop3A_293, %and3A_4, %parallel_loop3A_274], %parallel_loop3A_287 : memref<5x4x8x136xf32, #tpu.memory_space<vmem>>[vector<16xi32>, vector<16xi32>, vector<16xi32>, vector<16xi32>], vector<16xf32>,
      } {sc.loop_unroll_factor = 4 : i64, sc.parallel_access}
      %broadcast_in_dim3A_172 = arith.constant 1 : i32
      %broadcast_in_dim3A_173 = vector.broadcast %broadcast_in_dim3A_172 : i32 to vector<16xi32>
      %parallel_loop3A_174 = arith.constant 0 : i32
      %parallel_loop3A_175 = arith.constant 128 : i32
      %parallel_loop3A_176 = arith.constant 1 : i32
      scf.for %parallel_loop3A_273 = %parallel_loop3A_174 to %parallel_loop3A_175 step %parallel_loop3A_176  : i32 {
        %parallel_loop3A_274 = vector.broadcast %parallel_loop3A_273 : i32 to vector<16xi32>
        %parallel_loop3A_275 = arith.constant 128 : i32
        %parallel_loop3A_276 = arith.addi %parallel_loop3A_275, %parallel_loop3A_273 : i32
        %parallel_loop3A_277 = arith.index_cast %parallel_loop3A_276 : i32 to index
        %parallel_loop3A_278 = arith.constant 0 : index
        %parallel_loop3A_279 = tpu.vector_load %arg7[%parallel_loop3A_277, %parallel_loop3A_278] {strides = array<i32>} : memref<640x32xf32, #tpu.memory_space<vmem>>, vector<16xf32>,
        %parallel_loop3A_280 = arith.constant 3 : i32
        %parallel_loop3A_281 = vector.broadcast %parallel_loop3A_280 : i32 to vector<16xi32>
        %parallel_loop3A_282 = arith.shrsi %iota3A, %parallel_loop3A_281 : vector<16xi32>
        tpu.vector_store_idx %arg9[%broadcast_in_dim3A_173, %parallel_loop3A_282, %and3A_4, %parallel_loop3A_274], %parallel_loop3A_279 : memref<5x4x8x136xf32, #tpu.memory_space<vmem>>[vector<16xi32>, vector<16xi32>, vector<16xi32>, vector<16xi32>], vector<16xf32>,
        %parallel_loop3A_283 = arith.constant 128 : i32
        %parallel_loop3A_284 = arith.addi %parallel_loop3A_283, %parallel_loop3A_273 : i32
        %parallel_loop3A_285 = arith.index_cast %parallel_loop3A_284 : i32 to index
        %parallel_loop3A_286 = arith.constant 16 : index
        %parallel_loop3A_287 = tpu.vector_load %arg7[%parallel_loop3A_285, %parallel_loop3A_286] {strides = array<i32>} : memref<640x32xf32, #tpu.memory_space<vmem>>, vector<16xf32>,
        %parallel_loop3A_288 = arith.constant 3 : i32
        %parallel_loop3A_289 = vector.broadcast %parallel_loop3A_288 : i32 to vector<16xi32>
        %parallel_loop3A_290 = arith.shrsi %iota3A, %parallel_loop3A_289 : vector<16xi32>
        %parallel_loop3A_291 = arith.constant 2 : i32
        %parallel_loop3A_292 = vector.broadcast %parallel_loop3A_291 : i32 to vector<16xi32>
        %parallel_loop3A_293 = arith.addi %parallel_loop3A_292, %parallel_loop3A_290 : vector<16xi32>
        tpu.vector_store_idx %arg9[%broadcast_in_dim3A_173, %parallel_loop3A_293, %and3A_4, %parallel_loop3A_274], %parallel_loop3A_287 : memref<5x4x8x136xf32, #tpu.memory_space<vmem>>[vector<16xi32>, vector<16xi32>, vector<16xi32>, vector<16xi32>], vector<16xf32>,
      } {sc.loop_unroll_factor = 4 : i64, sc.parallel_access}
      %broadcast_in_dim3A_177 = arith.constant 2 : i32
      %broadcast_in_dim3A_178 = vector.broadcast %broadcast_in_dim3A_177 : i32 to vector<16xi32>
      %parallel_loop3A_179 = arith.constant 0 : i32
      %parallel_loop3A_180 = arith.constant 128 : i32
      %parallel_loop3A_181 = arith.constant 1 : i32
      scf.for %parallel_loop3A_273 = %parallel_loop3A_179 to %parallel_loop3A_180 step %parallel_loop3A_181  : i32 {
        %parallel_loop3A_274 = vector.broadcast %parallel_loop3A_273 : i32 to vector<16xi32>
        %parallel_loop3A_275 = arith.constant 256 : i32
        %parallel_loop3A_276 = arith.addi %parallel_loop3A_275, %parallel_loop3A_273 : i32
        %parallel_loop3A_277 = arith.index_cast %parallel_loop3A_276 : i32 to index
        %parallel_loop3A_278 = arith.constant 0 : index
        %parallel_loop3A_279 = tpu.vector_load %arg7[%parallel_loop3A_277, %parallel_loop3A_278] {strides = array<i32>} : memref<640x32xf32, #tpu.memory_space<vmem>>, vector<16xf32>,
        %parallel_loop3A_280 = arith.constant 3 : i32
        %parallel_loop3A_281 = vector.broadcast %parallel_loop3A_280 : i32 to vector<16xi32>
        %parallel_loop3A_282 = arith.shrsi %iota3A, %parallel_loop3A_281 : vector<16xi32>
        tpu.vector_store_idx %arg9[%broadcast_in_dim3A_178, %parallel_loop3A_282, %and3A_4, %parallel_loop3A_274], %parallel_loop3A_279 : memref<5x4x8x136xf32, #tpu.memory_space<vmem>>[vector<16xi32>, vector<16xi32>, vector<16xi32>, vector<16xi32>], vector<16xf32>,
        %parallel_loop3A_283 = arith.constant 256 : i32
        %parallel_loop3A_284 = arith.addi %parallel_loop3A_283, %parallel_loop3A_273 : i32
        %parallel_loop3A_285 = arith.index_cast %parallel_loop3A_284 : i32 to index
        %parallel_loop3A_286 = arith.constant 16 : index
        %parallel_loop3A_287 = tpu.vector_load %arg7[%parallel_loop3A_285, %parallel_loop3A_286] {strides = array<i32>} : memref<640x32xf32, #tpu.memory_space<vmem>>, vector<16xf32>,
        %parallel_loop3A_288 = arith.constant 3 : i32
        %parallel_loop3A_289 = vector.broadcast %parallel_loop3A_288 : i32 to vector<16xi32>
        %parallel_loop3A_290 = arith.shrsi %iota3A, %parallel_loop3A_289 : vector<16xi32>
        %parallel_loop3A_291 = arith.constant 2 : i32
        %parallel_loop3A_292 = vector.broadcast %parallel_loop3A_291 : i32 to vector<16xi32>
        %parallel_loop3A_293 = arith.addi %parallel_loop3A_292, %parallel_loop3A_290 : vector<16xi32>
        tpu.vector_store_idx %arg9[%broadcast_in_dim3A_178, %parallel_loop3A_293, %and3A_4, %parallel_loop3A_274], %parallel_loop3A_287 : memref<5x4x8x136xf32, #tpu.memory_space<vmem>>[vector<16xi32>, vector<16xi32>, vector<16xi32>, vector<16xi32>], vector<16xf32>,
      } {sc.loop_unroll_factor = 4 : i64, sc.parallel_access}
      %broadcast_in_dim3A_182 = arith.constant 3 : i32
      %broadcast_in_dim3A_183 = vector.broadcast %broadcast_in_dim3A_182 : i32 to vector<16xi32>
      %parallel_loop3A_184 = arith.constant 0 : i32
      %parallel_loop3A_185 = arith.constant 128 : i32
      %parallel_loop3A_186 = arith.constant 1 : i32
      scf.for %parallel_loop3A_273 = %parallel_loop3A_184 to %parallel_loop3A_185 step %parallel_loop3A_186  : i32 {
        %parallel_loop3A_274 = vector.broadcast %parallel_loop3A_273 : i32 to vector<16xi32>
        %parallel_loop3A_275 = arith.constant 384 : i32
        %parallel_loop3A_276 = arith.addi %parallel_loop3A_275, %parallel_loop3A_273 : i32
        %parallel_loop3A_277 = arith.index_cast %parallel_loop3A_276 : i32 to index
        %parallel_loop3A_278 = arith.constant 0 : index
        %parallel_loop3A_279 = tpu.vector_load %arg7[%parallel_loop3A_277, %parallel_loop3A_278] {strides = array<i32>} : memref<640x32xf32, #tpu.memory_space<vmem>>, vector<16xf32>,
        %parallel_loop3A_280 = arith.constant 3 : i32
        %parallel_loop3A_281 = vector.broadcast %parallel_loop3A_280 : i32 to vector<16xi32>
        %parallel_loop3A_282 = arith.shrsi %iota3A, %parallel_loop3A_281 : vector<16xi32>
        tpu.vector_store_idx %arg9[%broadcast_in_dim3A_183, %parallel_loop3A_282, %and3A_4, %parallel_loop3A_274], %parallel_loop3A_279 : memref<5x4x8x136xf32, #tpu.memory_space<vmem>>[vector<16xi32>, vector<16xi32>, vector<16xi32>, vector<16xi32>], vector<16xf32>,
        %parallel_loop3A_283 = arith.constant 384 : i32
        %parallel_loop3A_284 = arith.addi %parallel_loop3A_283, %parallel_loop3A_273 : i32
        %parallel_loop3A_285 = arith.index_cast %parallel_loop3A_284 : i32 to index
        %parallel_loop3A_286 = arith.constant 16 : index
        %parallel_loop3A_287 = tpu.vector_load %arg7[%parallel_loop3A_285, %parallel_loop3A_286] {strides = array<i32>} : memref<640x32xf32, #tpu.memory_space<vmem>>, vector<16xf32>,
        %parallel_loop3A_288 = arith.constant 3 : i32
        %parallel_loop3A_289 = vector.broadcast %parallel_loop3A_288 : i32 to vector<16xi32>
        %parallel_loop3A_290 = arith.shrsi %iota3A, %parallel_loop3A_289 : vector<16xi32>
        %parallel_loop3A_291 = arith.constant 2 : i32
        %parallel_loop3A_292 = vector.broadcast %parallel_loop3A_291 : i32 to vector<16xi32>
        %parallel_loop3A_293 = arith.addi %parallel_loop3A_292, %parallel_loop3A_290 : vector<16xi32>
        tpu.vector_store_idx %arg9[%broadcast_in_dim3A_183, %parallel_loop3A_293, %and3A_4, %parallel_loop3A_274], %parallel_loop3A_287 : memref<5x4x8x136xf32, #tpu.memory_space<vmem>>[vector<16xi32>, vector<16xi32>, vector<16xi32>, vector<16xi32>], vector<16xf32>,
      } {sc.loop_unroll_factor = 4 : i64, sc.parallel_access}
      %broadcast_in_dim3A_187 = arith.constant 4 : i32
      %broadcast_in_dim3A_188 = vector.broadcast %broadcast_in_dim3A_187 : i32 to vector<16xi32>
      %parallel_loop3A_189 = arith.constant 0 : i32
      %parallel_loop3A_190 = arith.constant 128 : i32
      %parallel_loop3A_191 = arith.constant 1 : i32
      scf.for %parallel_loop3A_273 = %parallel_loop3A_189 to %parallel_loop3A_190 step %parallel_loop3A_191  : i32 {
        %parallel_loop3A_274 = vector.broadcast %parallel_loop3A_273 : i32 to vector<16xi32>
        %parallel_loop3A_275 = arith.constant 512 : i32
        %parallel_loop3A_276 = arith.addi %parallel_loop3A_275, %parallel_loop3A_273 : i32
        %parallel_loop3A_277 = arith.index_cast %parallel_loop3A_276 : i32 to index
        %parallel_loop3A_278 = arith.constant 0 : index
        %parallel_loop3A_279 = tpu.vector_load %arg7[%parallel_loop3A_277, %parallel_loop3A_278] {strides = array<i32>} : memref<640x32xf32, #tpu.memory_space<vmem>>, vector<16xf32>,
        %parallel_loop3A_280 = arith.constant 3 : i32
        %parallel_loop3A_281 = vector.broadcast %parallel_loop3A_280 : i32 to vector<16xi32>
        %parallel_loop3A_282 = arith.shrsi %iota3A, %parallel_loop3A_281 : vector<16xi32>
        tpu.vector_store_idx %arg9[%broadcast_in_dim3A_188, %parallel_loop3A_282, %and3A_4, %parallel_loop3A_274], %parallel_loop3A_279 : memref<5x4x8x136xf32, #tpu.memory_space<vmem>>[vector<16xi32>, vector<16xi32>, vector<16xi32>, vector<16xi32>], vector<16xf32>,
        %parallel_loop3A_283 = arith.constant 512 : i32
        %parallel_loop3A_284 = arith.addi %parallel_loop3A_283, %parallel_loop3A_273 : i32
        %parallel_loop3A_285 = arith.index_cast %parallel_loop3A_284 : i32 to index
        %parallel_loop3A_286 = arith.constant 16 : index
        %parallel_loop3A_287 = tpu.vector_load %arg7[%parallel_loop3A_285, %parallel_loop3A_286] {strides = array<i32>} : memref<640x32xf32, #tpu.memory_space<vmem>>, vector<16xf32>,
        %parallel_loop3A_288 = arith.constant 3 : i32
        %parallel_loop3A_289 = vector.broadcast %parallel_loop3A_288 : i32 to vector<16xi32>
        %parallel_loop3A_290 = arith.shrsi %iota3A, %parallel_loop3A_289 : vector<16xi32>
        %parallel_loop3A_291 = arith.constant 2 : i32
        %parallel_loop3A_292 = vector.broadcast %parallel_loop3A_291 : i32 to vector<16xi32>
        %parallel_loop3A_293 = arith.addi %parallel_loop3A_292, %parallel_loop3A_290 : vector<16xi32>
        tpu.vector_store_idx %arg9[%broadcast_in_dim3A_188, %parallel_loop3A_293, %and3A_4, %parallel_loop3A_274], %parallel_loop3A_287 : memref<5x4x8x136xf32, #tpu.memory_space<vmem>>[vector<16xi32>, vector<16xi32>, vector<16xi32>, vector<16xi32>], vector<16xf32>,
      } {sc.loop_unroll_factor = 4 : i64, sc.parallel_access}
      %mul3A_192 = arith.constant 5 : i32
      %mul3A_193 = arith.muli %mul3A_106, %mul3A_192 : i32
      %dma_start3A_194 = arith.constant 0 : i32
      %dma_start3A_195 = arith.constant 0 : i32
      %dma_start3A_196 = arith.constant 0 : i32
      %dma_start3A_197 = arith.constant 0 : i32
      %dma_start3A_198 = tpu.memref_slice %arg9[%dma_start3A_194, %dma_start3A_195, %dma_start3A_196, %dma_start3A_197] : memref<5x4x8x136xf32, #tpu.memory_space<vmem>> -> memref<5x4x8x128xf32, #tpu.memory_space<vmem>>
      %dma_start3A_199 = arith.constant 0 : i32
      %dma_start3A_200 = arith.constant 0 : i32
      %dma_start3A_201 = arith.constant 0 : i32
      %dma_start3A_202 = tpu.memref_slice %arg4[%mul3A_193, %dma_start3A_199, %add3A, %dma_start3A_200, %dma_start3A_201] : memref<200x4x32x8x128xf32, #tpu.memory_space<hbm>> -> memref<5x4x1x8x128xf32, #tpu.memory_space<hbm>>
      %dma_start3A_203 = tpu.memref_squeeze %dma_start3A_202 : memref<5x4x1x8x128xf32, #tpu.memory_space<hbm>> -> memref<5x4x8x128xf32, #tpu.memory_space<hbm>>
      %dma_start3A_204 = arith.constant 0 : i32
      %dma_start3A_205 = arith.constant 0 : i32
      %dma_start3A_206 = arith.constant 0 : i32
      %dma_start3A_207 = tpu.memref_slice %arg4[%mul3A_193, %dma_start3A_204, %add3A, %dma_start3A_205, %dma_start3A_206] : memref<200x4x32x8x128xf32, #tpu.memory_space<hbm>> -> memref<5x4x1x8x128xf32, #tpu.memory_space<hbm>>
      %dma_start3A_208 = tpu.memref_squeeze %dma_start3A_207 : memref<5x4x1x8x128xf32, #tpu.memory_space<hbm>> -> memref<5x4x8x128xf32, #tpu.memory_space<hbm>>
      %dma_start3A_209 = arith.constant 0 : i32
      %dma_start3A_210 = arith.constant 0 : i32
      %dma_start3A_211 = arith.constant 0 : i32
      %dma_start3A_212 = arith.constant 0 : i32
      %dma_start3A_213 = tpu.memref_slice %arg9[%dma_start3A_209, %dma_start3A_210, %dma_start3A_211, %dma_start3A_212] : memref<5x4x8x136xf32, #tpu.memory_space<vmem>> -> memref<5x4x8x128xf32, #tpu.memory_space<vmem>>
      tpu.enqueue_dma source(%dma_start3A_213 : memref<5x4x8x128xf32, #tpu.memory_space<vmem>>) target(%dma_start3A_208 : memref<5x4x8x128xf32, #tpu.memory_space<hbm>>) target_semaphore(%arg13 : memref<!tpu.dma_semaphore, #tpu.memory_space<semaphore_mem>>)
      %dma_wait3A_214 = arith.constant 0 : i32
      %dma_wait3A_215 = arith.constant 0 : i32
      %dma_wait3A_216 = tpu.memref_slice %arg3[%dma_wait3A_214, %dma_wait3A_215] : memref<1048576x32xf32, #tpu.memory_space<hbm>> -> memref<640x32xf32, #tpu.memory_space<hbm>>
      %dma_wait3A_217 = arith.constant 0 : i32
      %dma_wait3A_218 = arith.constant 0 : i32
      %dma_wait3A_219 = tpu.memref_slice %arg3[%dma_wait3A_217, %dma_wait3A_218] : memref<1048576x32xf32, #tpu.memory_space<hbm>> -> memref<640x32xf32, #tpu.memory_space<hbm>>
      tpu.wait_dma2 semaphore(%arg12 : memref<!tpu.dma_semaphore, #tpu.memory_space<semaphore_mem>>) src(%dma_wait3A_219 : memref<640x32xf32, #tpu.memory_space<hbm>>) dst(%arg8 : memref<640x32xf32, #tpu.memory_space<vmem>>)
      %broadcast_in_dim3A_220 = arith.constant 0 : i32
      %broadcast_in_dim3A_221 = vector.broadcast %broadcast_in_dim3A_220 : i32 to vector<16xi32>
      %parallel_loop3A_222 = arith.constant 0 : i32
      %parallel_loop3A_223 = arith.constant 128 : i32
      %parallel_loop3A_224 = arith.constant 1 : i32
      scf.for %parallel_loop3A_273 = %parallel_loop3A_222 to %parallel_loop3A_223 step %parallel_loop3A_224  : i32 {
        %parallel_loop3A_274 = vector.broadcast %parallel_loop3A_273 : i32 to vector<16xi32>
        %parallel_loop3A_275 = arith.constant 0 : i32
        %parallel_loop3A_276 = arith.addi %parallel_loop3A_275, %parallel_loop3A_273 : i32
        %parallel_loop3A_277 = arith.index_cast %parallel_loop3A_276 : i32 to index
        %parallel_loop3A_278 = arith.constant 0 : index
        %parallel_loop3A_279 = tpu.vector_load %arg8[%parallel_loop3A_277, %parallel_loop3A_278] {strides = array<i32>} : memref<640x32xf32, #tpu.memory_space<vmem>>, vector<16xf32>,
        %parallel_loop3A_280 = arith.constant 3 : i32
        %parallel_loop3A_281 = vector.broadcast %parallel_loop3A_280 : i32 to vector<16xi32>
        %parallel_loop3A_282 = arith.shrsi %iota3A, %parallel_loop3A_281 : vector<16xi32>
        tpu.vector_store_idx %arg10[%broadcast_in_dim3A_221, %parallel_loop3A_282, %and3A_4, %parallel_loop3A_274], %parallel_loop3A_279 : memref<5x4x8x136xf32, #tpu.memory_space<vmem>>[vector<16xi32>, vector<16xi32>, vector<16xi32>, vector<16xi32>], vector<16xf32>,
        %parallel_loop3A_283 = arith.constant 0 : i32
        %parallel_loop3A_284 = arith.addi %parallel_loop3A_283, %parallel_loop3A_273 : i32
        %parallel_loop3A_285 = arith.index_cast %parallel_loop3A_284 : i32 to index
        %parallel_loop3A_286 = arith.constant 16 : index
        %parallel_loop3A_287 = tpu.vector_load %arg8[%parallel_loop3A_285, %parallel_loop3A_286] {strides = array<i32>} : memref<640x32xf32, #tpu.memory_space<vmem>>, vector<16xf32>,
        %parallel_loop3A_288 = arith.constant 3 : i32
        %parallel_loop3A_289 = vector.broadcast %parallel_loop3A_288 : i32 to vector<16xi32>
        %parallel_loop3A_290 = arith.shrsi %iota3A, %parallel_loop3A_289 : vector<16xi32>
        %parallel_loop3A_291 = arith.constant 2 : i32
        %parallel_loop3A_292 = vector.broadcast %parallel_loop3A_291 : i32 to vector<16xi32>
        %parallel_loop3A_293 = arith.addi %parallel_loop3A_292, %parallel_loop3A_290 : vector<16xi32>
        tpu.vector_store_idx %arg10[%broadcast_in_dim3A_221, %parallel_loop3A_293, %and3A_4, %parallel_loop3A_274], %parallel_loop3A_287 : memref<5x4x8x136xf32, #tpu.memory_space<vmem>>[vector<16xi32>, vector<16xi32>, vector<16xi32>, vector<16xi32>], vector<16xf32>,
      } {sc.loop_unroll_factor = 4 : i64, sc.parallel_access}
      %broadcast_in_dim3A_225 = arith.constant 1 : i32
      %broadcast_in_dim3A_226 = vector.broadcast %broadcast_in_dim3A_225 : i32 to vector<16xi32>
      %parallel_loop3A_227 = arith.constant 0 : i32
      %parallel_loop3A_228 = arith.constant 128 : i32
      %parallel_loop3A_229 = arith.constant 1 : i32
      scf.for %parallel_loop3A_273 = %parallel_loop3A_227 to %parallel_loop3A_228 step %parallel_loop3A_229  : i32 {
        %parallel_loop3A_274 = vector.broadcast %parallel_loop3A_273 : i32 to vector<16xi32>
        %parallel_loop3A_275 = arith.constant 128 : i32
        %parallel_loop3A_276 = arith.addi %parallel_loop3A_275, %parallel_loop3A_273 : i32
        %parallel_loop3A_277 = arith.index_cast %parallel_loop3A_276 : i32 to index
        %parallel_loop3A_278 = arith.constant 0 : index
        %parallel_loop3A_279 = tpu.vector_load %arg8[%parallel_loop3A_277, %parallel_loop3A_278] {strides = array<i32>} : memref<640x32xf32, #tpu.memory_space<vmem>>, vector<16xf32>,
        %parallel_loop3A_280 = arith.constant 3 : i32
        %parallel_loop3A_281 = vector.broadcast %parallel_loop3A_280 : i32 to vector<16xi32>
        %parallel_loop3A_282 = arith.shrsi %iota3A, %parallel_loop3A_281 : vector<16xi32>
        tpu.vector_store_idx %arg10[%broadcast_in_dim3A_226, %parallel_loop3A_282, %and3A_4, %parallel_loop3A_274], %parallel_loop3A_279 : memref<5x4x8x136xf32, #tpu.memory_space<vmem>>[vector<16xi32>, vector<16xi32>, vector<16xi32>, vector<16xi32>], vector<16xf32>,
        %parallel_loop3A_283 = arith.constant 128 : i32
        %parallel_loop3A_284 = arith.addi %parallel_loop3A_283, %parallel_loop3A_273 : i32
        %parallel_loop3A_285 = arith.index_cast %parallel_loop3A_284 : i32 to index
        %parallel_loop3A_286 = arith.constant 16 : index
        %parallel_loop3A_287 = tpu.vector_load %arg8[%parallel_loop3A_285, %parallel_loop3A_286] {strides = array<i32>} : memref<640x32xf32, #tpu.memory_space<vmem>>, vector<16xf32>,
        %parallel_loop3A_288 = arith.constant 3 : i32
        %parallel_loop3A_289 = vector.broadcast %parallel_loop3A_288 : i32 to vector<16xi32>
        %parallel_loop3A_290 = arith.shrsi %iota3A, %parallel_loop3A_289 : vector<16xi32>
        %parallel_loop3A_291 = arith.constant 2 : i32
        %parallel_loop3A_292 = vector.broadcast %parallel_loop3A_291 : i32 to vector<16xi32>
        %parallel_loop3A_293 = arith.addi %parallel_loop3A_292, %parallel_loop3A_290 : vector<16xi32>
        tpu.vector_store_idx %arg10[%broadcast_in_dim3A_226, %parallel_loop3A_293, %and3A_4, %parallel_loop3A_274], %parallel_loop3A_287 : memref<5x4x8x136xf32, #tpu.memory_space<vmem>>[vector<16xi32>, vector<16xi32>, vector<16xi32>, vector<16xi32>], vector<16xf32>,
      } {sc.loop_unroll_factor = 4 : i64, sc.parallel_access}
      %broadcast_in_dim3A_230 = arith.constant 2 : i32
      %broadcast_in_dim3A_231 = vector.broadcast %broadcast_in_dim3A_230 : i32 to vector<16xi32>
      %parallel_loop3A_232 = arith.constant 0 : i32
      %parallel_loop3A_233 = arith.constant 128 : i32
      %parallel_loop3A_234 = arith.constant 1 : i32
      scf.for %parallel_loop3A_273 = %parallel_loop3A_232 to %parallel_loop3A_233 step %parallel_loop3A_234  : i32 {
        %parallel_loop3A_274 = vector.broadcast %parallel_loop3A_273 : i32 to vector<16xi32>
        %parallel_loop3A_275 = arith.constant 256 : i32
        %parallel_loop3A_276 = arith.addi %parallel_loop3A_275, %parallel_loop3A_273 : i32
        %parallel_loop3A_277 = arith.index_cast %parallel_loop3A_276 : i32 to index
        %parallel_loop3A_278 = arith.constant 0 : index
        %parallel_loop3A_279 = tpu.vector_load %arg8[%parallel_loop3A_277, %parallel_loop3A_278] {strides = array<i32>} : memref<640x32xf32, #tpu.memory_space<vmem>>, vector<16xf32>,
        %parallel_loop3A_280 = arith.constant 3 : i32
        %parallel_loop3A_281 = vector.broadcast %parallel_loop3A_280 : i32 to vector<16xi32>
        %parallel_loop3A_282 = arith.shrsi %iota3A, %parallel_loop3A_281 : vector<16xi32>
        tpu.vector_store_idx %arg10[%broadcast_in_dim3A_231, %parallel_loop3A_282, %and3A_4, %parallel_loop3A_274], %parallel_loop3A_279 : memref<5x4x8x136xf32, #tpu.memory_space<vmem>>[vector<16xi32>, vector<16xi32>, vector<16xi32>, vector<16xi32>], vector<16xf32>,
        %parallel_loop3A_283 = arith.constant 256 : i32
        %parallel_loop3A_284 = arith.addi %parallel_loop3A_283, %parallel_loop3A_273 : i32
        %parallel_loop3A_285 = arith.index_cast %parallel_loop3A_284 : i32 to index
        %parallel_loop3A_286 = arith.constant 16 : index
        %parallel_loop3A_287 = tpu.vector_load %arg8[%parallel_loop3A_285, %parallel_loop3A_286] {strides = array<i32>} : memref<640x32xf32, #tpu.memory_space<vmem>>, vector<16xf32>,
        %parallel_loop3A_288 = arith.constant 3 : i32
        %parallel_loop3A_289 = vector.broadcast %parallel_loop3A_288 : i32 to vector<16xi32>
        %parallel_loop3A_290 = arith.shrsi %iota3A, %parallel_loop3A_289 : vector<16xi32>
        %parallel_loop3A_291 = arith.constant 2 : i32
        %parallel_loop3A_292 = vector.broadcast %parallel_loop3A_291 : i32 to vector<16xi32>
        %parallel_loop3A_293 = arith.addi %parallel_loop3A_292, %parallel_loop3A_290 : vector<16xi32>
        tpu.vector_store_idx %arg10[%broadcast_in_dim3A_231, %parallel_loop3A_293, %and3A_4, %parallel_loop3A_274], %parallel_loop3A_287 : memref<5x4x8x136xf32, #tpu.memory_space<vmem>>[vector<16xi32>, vector<16xi32>, vector<16xi32>, vector<16xi32>], vector<16xf32>,
      } {sc.loop_unroll_factor = 4 : i64, sc.parallel_access}
      %broadcast_in_dim3A_235 = arith.constant 3 : i32
      %broadcast_in_dim3A_236 = vector.broadcast %broadcast_in_dim3A_235 : i32 to vector<16xi32>
      %parallel_loop3A_237 = arith.constant 0 : i32
      %parallel_loop3A_238 = arith.constant 128 : i32
      %parallel_loop3A_239 = arith.constant 1 : i32
      scf.for %parallel_loop3A_273 = %parallel_loop3A_237 to %parallel_loop3A_238 step %parallel_loop3A_239  : i32 {
        %parallel_loop3A_274 = vector.broadcast %parallel_loop3A_273 : i32 to vector<16xi32>
        %parallel_loop3A_275 = arith.constant 384 : i32
        %parallel_loop3A_276 = arith.addi %parallel_loop3A_275, %parallel_loop3A_273 : i32
        %parallel_loop3A_277 = arith.index_cast %parallel_loop3A_276 : i32 to index
        %parallel_loop3A_278 = arith.constant 0 : index
        %parallel_loop3A_279 = tpu.vector_load %arg8[%parallel_loop3A_277, %parallel_loop3A_278] {strides = array<i32>} : memref<640x32xf32, #tpu.memory_space<vmem>>, vector<16xf32>,
        %parallel_loop3A_280 = arith.constant 3 : i32
        %parallel_loop3A_281 = vector.broadcast %parallel_loop3A_280 : i32 to vector<16xi32>
        %parallel_loop3A_282 = arith.shrsi %iota3A, %parallel_loop3A_281 : vector<16xi32>
        tpu.vector_store_idx %arg10[%broadcast_in_dim3A_236, %parallel_loop3A_282, %and3A_4, %parallel_loop3A_274], %parallel_loop3A_279 : memref<5x4x8x136xf32, #tpu.memory_space<vmem>>[vector<16xi32>, vector<16xi32>, vector<16xi32>, vector<16xi32>], vector<16xf32>,
        %parallel_loop3A_283 = arith.constant 384 : i32
        %parallel_loop3A_284 = arith.addi %parallel_loop3A_283, %parallel_loop3A_273 : i32
        %parallel_loop3A_285 = arith.index_cast %parallel_loop3A_284 : i32 to index
        %parallel_loop3A_286 = arith.constant 16 : index
        %parallel_loop3A_287 = tpu.vector_load %arg8[%parallel_loop3A_285, %parallel_loop3A_286] {strides = array<i32>} : memref<640x32xf32, #tpu.memory_space<vmem>>, vector<16xf32>,
        %parallel_loop3A_288 = arith.constant 3 : i32
        %parallel_loop3A_289 = vector.broadcast %parallel_loop3A_288 : i32 to vector<16xi32>
        %parallel_loop3A_290 = arith.shrsi %iota3A, %parallel_loop3A_289 : vector<16xi32>
        %parallel_loop3A_291 = arith.constant 2 : i32
        %parallel_loop3A_292 = vector.broadcast %parallel_loop3A_291 : i32 to vector<16xi32>
        %parallel_loop3A_293 = arith.addi %parallel_loop3A_292, %parallel_loop3A_290 : vector<16xi32>
        tpu.vector_store_idx %arg10[%broadcast_in_dim3A_236, %parallel_loop3A_293, %and3A_4, %parallel_loop3A_274], %parallel_loop3A_287 : memref<5x4x8x136xf32, #tpu.memory_space<vmem>>[vector<16xi32>, vector<16xi32>, vector<16xi32>, vector<16xi32>], vector<16xf32>,
      } {sc.loop_unroll_factor = 4 : i64, sc.parallel_access}
      %broadcast_in_dim3A_240 = arith.constant 4 : i32
      %broadcast_in_dim3A_241 = vector.broadcast %broadcast_in_dim3A_240 : i32 to vector<16xi32>
      %parallel_loop3A_242 = arith.constant 0 : i32
      %parallel_loop3A_243 = arith.constant 128 : i32
      %parallel_loop3A_244 = arith.constant 1 : i32
      scf.for %parallel_loop3A_273 = %parallel_loop3A_242 to %parallel_loop3A_243 step %parallel_loop3A_244  : i32 {
        %parallel_loop3A_274 = vector.broadcast %parallel_loop3A_273 : i32 to vector<16xi32>
        %parallel_loop3A_275 = arith.constant 512 : i32
        %parallel_loop3A_276 = arith.addi %parallel_loop3A_275, %parallel_loop3A_273 : i32
        %parallel_loop3A_277 = arith.index_cast %parallel_loop3A_276 : i32 to index
        %parallel_loop3A_278 = arith.constant 0 : index
        %parallel_loop3A_279 = tpu.vector_load %arg8[%parallel_loop3A_277, %parallel_loop3A_278] {strides = array<i32>} : memref<640x32xf32, #tpu.memory_space<vmem>>, vector<16xf32>,
        %parallel_loop3A_280 = arith.constant 3 : i32
        %parallel_loop3A_281 = vector.broadcast %parallel_loop3A_280 : i32 to vector<16xi32>
        %parallel_loop3A_282 = arith.shrsi %iota3A, %parallel_loop3A_281 : vector<16xi32>
        tpu.vector_store_idx %arg10[%broadcast_in_dim3A_241, %parallel_loop3A_282, %and3A_4, %parallel_loop3A_274], %parallel_loop3A_279 : memref<5x4x8x136xf32, #tpu.memory_space<vmem>>[vector<16xi32>, vector<16xi32>, vector<16xi32>, vector<16xi32>], vector<16xf32>,
        %parallel_loop3A_283 = arith.constant 512 : i32
        %parallel_loop3A_284 = arith.addi %parallel_loop3A_283, %parallel_loop3A_273 : i32
        %parallel_loop3A_285 = arith.index_cast %parallel_loop3A_284 : i32 to index
        %parallel_loop3A_286 = arith.constant 16 : index
        %parallel_loop3A_287 = tpu.vector_load %arg8[%parallel_loop3A_285, %parallel_loop3A_286] {strides = array<i32>} : memref<640x32xf32, #tpu.memory_space<vmem>>, vector<16xf32>,
        %parallel_loop3A_288 = arith.constant 3 : i32
        %parallel_loop3A_289 = vector.broadcast %parallel_loop3A_288 : i32 to vector<16xi32>
        %parallel_loop3A_290 = arith.shrsi %iota3A, %parallel_loop3A_289 : vector<16xi32>
        %parallel_loop3A_291 = arith.constant 2 : i32
        %parallel_loop3A_292 = vector.broadcast %parallel_loop3A_291 : i32 to vector<16xi32>
        %parallel_loop3A_293 = arith.addi %parallel_loop3A_292, %parallel_loop3A_290 : vector<16xi32>
        tpu.vector_store_idx %arg10[%broadcast_in_dim3A_241, %parallel_loop3A_293, %and3A_4, %parallel_loop3A_274], %parallel_loop3A_287 : memref<5x4x8x136xf32, #tpu.memory_space<vmem>>[vector<16xi32>, vector<16xi32>, vector<16xi32>, vector<16xi32>], vector<16xf32>,
      } {sc.loop_unroll_factor = 4 : i64, sc.parallel_access}
      %lt3A = arith.constant 19 : i32
      %lt3A_245 = arith.cmpi slt, %scan3A_104, %lt3A : i32
      %convert_element_type3A_246 = arith.extui %lt3A_245 : i1 to i32
      %cond3A_247 = arith.constant 0 : i32
      %cond3A_248 = arith.cmpi ne, %convert_element_type3A_246, %cond3A_247 : i32
      scf.if %cond3A_248 {
        %dma_wait3A_273 = arith.constant 0 : i32
        %dma_wait3A_274 = arith.constant 0 : i32
        %dma_wait3A_275 = arith.constant 0 : i32
        %dma_wait3A_276 = arith.constant 0 : i32
        %dma_wait3A_277 = arith.constant 0 : i32
        %dma_wait3A_278 = tpu.memref_slice %arg9[%dma_wait3A_274, %dma_wait3A_275, %dma_wait3A_276, %dma_wait3A_277] : memref<5x4x8x136xf32, #tpu.memory_space<vmem>> -> memref<5x4x8x128xf32, #tpu.memory_space<vmem>>
        %dma_wait3A_279 = arith.constant 0 : i32
        %dma_wait3A_280 = arith.constant 0 : i32
        %dma_wait3A_281 = arith.constant 0 : i32
        %dma_wait3A_282 = arith.constant 0 : i32
        %dma_wait3A_283 = tpu.memref_slice %arg4[%dma_wait3A_279, %dma_wait3A_280, %dma_wait3A_273, %dma_wait3A_281, %dma_wait3A_282] : memref<200x4x32x8x128xf32, #tpu.memory_space<hbm>> -> memref<5x4x1x8x128xf32, #tpu.memory_space<hbm>>
        %dma_wait3A_284 = tpu.memref_squeeze %dma_wait3A_283 : memref<5x4x1x8x128xf32, #tpu.memory_space<hbm>> -> memref<5x4x8x128xf32, #tpu.memory_space<hbm>>
        %dma_wait3A_285 = arith.constant 0 : i32
        %dma_wait3A_286 = arith.constant 0 : i32
        %dma_wait3A_287 = arith.constant 0 : i32
        %dma_wait3A_288 = arith.constant 0 : i32
        %dma_wait3A_289 = tpu.memref_slice %arg4[%dma_wait3A_285, %dma_wait3A_286, %dma_wait3A_273, %dma_wait3A_287, %dma_wait3A_288] : memref<200x4x32x8x128xf32, #tpu.memory_space<hbm>> -> memref<5x4x1x8x128xf32, #tpu.memory_space<hbm>>
        %dma_wait3A_290 = tpu.memref_squeeze %dma_wait3A_289 : memref<5x4x1x8x128xf32, #tpu.memory_space<hbm>> -> memref<5x4x8x128xf32, #tpu.memory_space<hbm>>
        %dma_wait3A_291 = arith.constant 0 : i32
        %dma_wait3A_292 = arith.constant 0 : i32
        %dma_wait3A_293 = arith.constant 0 : i32
        %dma_wait3A_294 = arith.constant 0 : i32
        %dma_wait3A_295 = tpu.memref_slice %arg9[%dma_wait3A_291, %dma_wait3A_292, %dma_wait3A_293, %dma_wait3A_294] : memref<5x4x8x136xf32, #tpu.memory_space<vmem>> -> memref<5x4x8x128xf32, #tpu.memory_space<vmem>>
        tpu.wait_dma2 semaphore(%arg13 : memref<!tpu.dma_semaphore, #tpu.memory_space<semaphore_mem>>) src(%dma_wait3A_295 : memref<5x4x8x128xf32, #tpu.memory_space<vmem>>) dst(%dma_wait3A_290 : memref<5x4x8x128xf32, #tpu.memory_space<hbm>>)
        %add3A_296 = arith.constant 2 : i32
        %add3A_297 = arith.addi %mul3A_106, %add3A_296 : i32
        %mul3A_298 = arith.constant 5 : i32
        %mul3A_299 = arith.muli %add3A_297, %mul3A_298 : i32
        "tpu.region"() ({
          %run_scoped3A = tpu.sem_alloc : memref<!tpu.dma_semaphore, #tpu.memory_space<semaphore_mem>>
          %dma_start3A_350 = tpu.memref_slice %arg2[%mul3A_299, %mul3A_2] : memref<200x4096xi32, #tpu.memory_space<hbm>> -> memref<5x128xi32, #tpu.memory_space<hbm>>
          %dma_start3A_351 = tpu.memref_slice %arg2[%mul3A_299, %mul3A_2] : memref<200x4096xi32, #tpu.memory_space<hbm>> -> memref<5x128xi32, #tpu.memory_space<hbm>>
          tpu.enqueue_dma source(%dma_start3A_351 : memref<5x128xi32, #tpu.memory_space<hbm>>) target(%arg5 : memref<5x128xi32, #tpu.memory_space<vmem>>) target_semaphore(%run_scoped3A : memref<!tpu.dma_semaphore, #tpu.memory_space<semaphore_mem>>)
          %dma_wait3A_352 = tpu.memref_slice %arg2[%mul3A_299, %mul3A_2] : memref<200x4096xi32, #tpu.memory_space<hbm>> -> memref<5x128xi32, #tpu.memory_space<hbm>>
          %dma_wait3A_353 = tpu.memref_slice %arg2[%mul3A_299, %mul3A_2] : memref<200x4096xi32, #tpu.memory_space<hbm>> -> memref<5x128xi32, #tpu.memory_space<hbm>>
          tpu.wait_dma2 semaphore(%run_scoped3A : memref<!tpu.dma_semaphore, #tpu.memory_space<semaphore_mem>>) src(%dma_wait3A_353 : memref<5x128xi32, #tpu.memory_space<hbm>>) dst(%arg5 : memref<5x128xi32, #tpu.memory_space<vmem>>)
          tpu.yield
        }) : () -> ()
        %dma_start3A_300 = arith.constant 0 : i32
        %dma_start3A_301 = arith.constant 0 : i32
        %dma_start3A_302 = arith.constant 0 : i32
        %dma_start3A_303 = tpu.memref_slice %arg7[%dma_start3A_301, %dma_start3A_302] : memref<640x32xf32, #tpu.memory_space<vmem>> -> memref<128x32xf32, #tpu.memory_space<vmem>>
        %dma_start3A_304 = arith.constant 0 : i32
        %dma_start3A_305 = tpu.memref_slice %arg5[%dma_start3A_300, %dma_start3A_304] : memref<5x128xi32, #tpu.memory_space<vmem>> -> memref<1x128xi32, #tpu.memory_space<vmem>>
        %dma_start3A_306 = tpu.memref_squeeze %dma_start3A_305 : memref<1x128xi32, #tpu.memory_space<vmem>> -> memref<128xi32, #tpu.memory_space<vmem>>
        %dma_start3A_307 = arith.constant 0 : i32
        %dma_start3A_308 = arith.constant 0 : i32
        %dma_start3A_309 = tpu.memref_slice %arg3[%dma_start3A_307, %dma_start3A_308] : memref<1048576x32xf32, #tpu.memory_space<hbm>> -> memref<1048576x32xf32, #tpu.memory_space<hbm>>
        tpu.enqueue_indirect_dma source(%dma_start3A_309 : memref<1048576x32xf32, #tpu.memory_space<hbm>>) target(%dma_start3A_303 : memref<128x32xf32, #tpu.memory_space<vmem>>) offsets(%dma_start3A_306 : memref<128xi32, #tpu.memory_space<vmem>>) semaphore(%arg11 : memref<!tpu.dma_semaphore, #tpu.memory_space<semaphore_mem>>)
        %dma_start3A_310 = arith.constant 1 : i32
        %dma_start3A_311 = arith.constant 128 : i32
        %dma_start3A_312 = arith.constant 0 : i32
        %dma_start3A_313 = tpu.memref_slice %arg7[%dma_start3A_311, %dma_start3A_312] : memref<640x32xf32, #tpu.memory_space<vmem>> -> memref<128x32xf32, #tpu.memory_space<vmem>>
        %dma_start3A_314 = arith.constant 0 : i32
        %dma_start3A_315 = tpu.memref_slice %arg5[%dma_start3A_310, %dma_start3A_314] : memref<5x128xi32, #tpu.memory_space<vmem>> -> memref<1x128xi32, #tpu.memory_space<vmem>>
        %dma_start3A_316 = tpu.memref_squeeze %dma_start3A_315 : memref<1x128xi32, #tpu.memory_space<vmem>> -> memref<128xi32, #tpu.memory_space<vmem>>
        %dma_start3A_317 = arith.constant 0 : i32
        %dma_start3A_318 = arith.constant 0 : i32
        %dma_start3A_319 = tpu.memref_slice %arg3[%dma_start3A_317, %dma_start3A_318] : memref<1048576x32xf32, #tpu.memory_space<hbm>> -> memref<1048576x32xf32, #tpu.memory_space<hbm>>
        tpu.enqueue_indirect_dma source(%dma_start3A_319 : memref<1048576x32xf32, #tpu.memory_space<hbm>>) target(%dma_start3A_313 : memref<128x32xf32, #tpu.memory_space<vmem>>) offsets(%dma_start3A_316 : memref<128xi32, #tpu.memory_space<vmem>>) semaphore(%arg11 : memref<!tpu.dma_semaphore, #tpu.memory_space<semaphore_mem>>)
        %dma_start3A_320 = arith.constant 2 : i32
        %dma_start3A_321 = arith.constant 256 : i32
        %dma_start3A_322 = arith.constant 0 : i32
        %dma_start3A_323 = tpu.memref_slice %arg7[%dma_start3A_321, %dma_start3A_322] : memref<640x32xf32, #tpu.memory_space<vmem>> -> memref<128x32xf32, #tpu.memory_space<vmem>>
        %dma_start3A_324 = arith.constant 0 : i32
        %dma_start3A_325 = tpu.memref_slice %arg5[%dma_start3A_320, %dma_start3A_324] : memref<5x128xi32, #tpu.memory_space<vmem>> -> memref<1x128xi32, #tpu.memory_space<vmem>>
        %dma_start3A_326 = tpu.memref_squeeze %dma_start3A_325 : memref<1x128xi32, #tpu.memory_space<vmem>> -> memref<128xi32, #tpu.memory_space<vmem>>
        %dma_start3A_327 = arith.constant 0 : i32
        %dma_start3A_328 = arith.constant 0 : i32
        %dma_start3A_329 = tpu.memref_slice %arg3[%dma_start3A_327, %dma_start3A_328] : memref<1048576x32xf32, #tpu.memory_space<hbm>> -> memref<1048576x32xf32, #tpu.memory_space<hbm>>
        tpu.enqueue_indirect_dma source(%dma_start3A_329 : memref<1048576x32xf32, #tpu.memory_space<hbm>>) target(%dma_start3A_323 : memref<128x32xf32, #tpu.memory_space<vmem>>) offsets(%dma_start3A_326 : memref<128xi32, #tpu.memory_space<vmem>>) semaphore(%arg11 : memref<!tpu.dma_semaphore, #tpu.memory_space<semaphore_mem>>)
        %dma_start3A_330 = arith.constant 3 : i32
        %dma_start3A_331 = arith.constant 384 : i32
        %dma_start3A_332 = arith.constant 0 : i32
        %dma_start3A_333 = tpu.memref_slice %arg7[%dma_start3A_331, %dma_start3A_332] : memref<640x32xf32, #tpu.memory_space<vmem>> -> memref<128x32xf32, #tpu.memory_space<vmem>>
        %dma_start3A_334 = arith.constant 0 : i32
        %dma_start3A_335 = tpu.memref_slice %arg5[%dma_start3A_330, %dma_start3A_334] : memref<5x128xi32, #tpu.memory_space<vmem>> -> memref<1x128xi32, #tpu.memory_space<vmem>>
        %dma_start3A_336 = tpu.memref_squeeze %dma_start3A_335 : memref<1x128xi32, #tpu.memory_space<vmem>> -> memref<128xi32, #tpu.memory_space<vmem>>
        %dma_start3A_337 = arith.constant 0 : i32
        %dma_start3A_338 = arith.constant 0 : i32
        %dma_start3A_339 = tpu.memref_slice %arg3[%dma_start3A_337, %dma_start3A_338] : memref<1048576x32xf32, #tpu.memory_space<hbm>> -> memref<1048576x32xf32, #tpu.memory_space<hbm>>
        tpu.enqueue_indirect_dma source(%dma_start3A_339 : memref<1048576x32xf32, #tpu.memory_space<hbm>>) target(%dma_start3A_333 : memref<128x32xf32, #tpu.memory_space<vmem>>) offsets(%dma_start3A_336 : memref<128xi32, #tpu.memory_space<vmem>>) semaphore(%arg11 : memref<!tpu.dma_semaphore, #tpu.memory_space<semaphore_mem>>)
        %dma_start3A_340 = arith.constant 4 : i32
        %dma_start3A_341 = arith.constant 512 : i32
        %dma_start3A_342 = arith.constant 0 : i32
        %dma_start3A_343 = tpu.memref_slice %arg7[%dma_start3A_341, %dma_start3A_342] : memref<640x32xf32, #tpu.memory_space<vmem>> -> memref<128x32xf32, #tpu.memory_space<vmem>>
        %dma_start3A_344 = arith.constant 0 : i32
        %dma_start3A_345 = tpu.memref_slice %arg5[%dma_start3A_340, %dma_start3A_344] : memref<5x128xi32, #tpu.memory_space<vmem>> -> memref<1x128xi32, #tpu.memory_space<vmem>>
        %dma_start3A_346 = tpu.memref_squeeze %dma_start3A_345 : memref<1x128xi32, #tpu.memory_space<vmem>> -> memref<128xi32, #tpu.memory_space<vmem>>
        %dma_start3A_347 = arith.constant 0 : i32
        %dma_start3A_348 = arith.constant 0 : i32
        %dma_start3A_349 = tpu.memref_slice %arg3[%dma_start3A_347, %dma_start3A_348] : memref<1048576x32xf32, #tpu.memory_space<hbm>> -> memref<1048576x32xf32, #tpu.memory_space<hbm>>
        tpu.enqueue_indirect_dma source(%dma_start3A_349 : memref<1048576x32xf32, #tpu.memory_space<hbm>>) target(%dma_start3A_343 : memref<128x32xf32, #tpu.memory_space<vmem>>) offsets(%dma_start3A_346 : memref<128xi32, #tpu.memory_space<vmem>>) semaphore(%arg11 : memref<!tpu.dma_semaphore, #tpu.memory_space<semaphore_mem>>)
      } else {
      }
      %add3A_249 = arith.constant 1 : i32
      %add3A_250 = arith.addi %mul3A_106, %add3A_249 : i32
      %mul3A_251 = arith.constant 5 : i32
      %mul3A_252 = arith.muli %add3A_250, %mul3A_251 : i32
      %dma_start3A_253 = arith.constant 0 : i32
      %dma_start3A_254 = arith.constant 0 : i32
      %dma_start3A_255 = arith.constant 0 : i32
      %dma_start3A_256 = arith.constant 0 : i32
      %dma_start3A_257 = tpu.memref_slice %arg10[%dma_start3A_253, %dma_start3A_254, %dma_start3A_255, %dma_start3A_256] : memref<5x4x8x136xf32, #tpu.memory_space<vmem>> -> memref<5x4x8x128xf32, #tpu.memory_space<vmem>>
      %dma_start3A_258 = arith.constant 0 : i32
      %dma_start3A_259 = arith.constant 0 : i32
      %dma_start3A_260 = arith.constant 0 : i32
      %dma_start3A_261 = tpu.memref_slice %arg4[%mul3A_252, %dma_start3A_258, %add3A, %dma_start3A_259, %dma_start3A_260] : memref<200x4x32x8x128xf32, #tpu.memory_space<hbm>> -> memref<5x4x1x8x128xf32, #tpu.memory_space<hbm>>
      %dma_start3A_262 = tpu.memref_squeeze %dma_start3A_261 : memref<5x4x1x8x128xf32, #tpu.memory_space<hbm>> -> memref<5x4x8x128xf32, #tpu.memory_space<hbm>>
      %dma_start3A_263 = arith.constant 0 : i32
      %dma_start3A_264 = arith.constant 0 : i32
      %dma_start3A_265 = arith.constant 0 : i32
      %dma_start3A_266 = tpu.memref_slice %arg4[%mul3A_252, %dma_start3A_263, %add3A, %dma_start3A_264, %dma_start3A_265] : memref<200x4x32x8x128xf32, #tpu.memory_space<hbm>> -> memref<5x4x1x8x128xf32, #tpu.memory_space<hbm>>
      %dma_start3A_267 = tpu.memref_squeeze %dma_start3A_266 : memref<5x4x1x8x128xf32, #tpu.memory_space<hbm>> -> memref<5x4x8x128xf32, #tpu.memory_space<hbm>>
      %dma_start3A_268 = arith.constant 0 : i32
      %dma_start3A_269 = arith.constant 0 : i32
      %dma_start3A_270 = arith.constant 0 : i32
      %dma_start3A_271 = arith.constant 0 : i32
      %dma_start3A_272 = tpu.memref_slice %arg10[%dma_start3A_268, %dma_start3A_269, %dma_start3A_270, %dma_start3A_271] : memref<5x4x8x136xf32, #tpu.memory_space<vmem>> -> memref<5x4x8x128xf32, #tpu.memory_space<vmem>>
      tpu.enqueue_dma source(%dma_start3A_272 : memref<5x4x8x128xf32, #tpu.memory_space<vmem>>) target(%dma_start3A_267 : memref<5x4x8x128xf32, #tpu.memory_space<hbm>>) target_semaphore(%arg14 : memref<!tpu.dma_semaphore, #tpu.memory_space<semaphore_mem>>)
    }
    %scan3A_58 = arith.constant 20 : i32
    %dma_wait3A = arith.constant 0 : i32
    %dma_wait3A_59 = arith.constant 0 : i32
    %dma_wait3A_60 = arith.constant 0 : i32
    %dma_wait3A_61 = arith.constant 0 : i32
    %dma_wait3A_62 = arith.constant 0 : i32
    %dma_wait3A_63 = tpu.memref_slice %arg9[%dma_wait3A_59, %dma_wait3A_60, %dma_wait3A_61, %dma_wait3A_62] : memref<5x4x8x136xf32, #tpu.memory_space<vmem>> -> memref<5x4x8x128xf32, #tpu.memory_space<vmem>>
    %dma_wait3A_64 = arith.constant 0 : i32
    %dma_wait3A_65 = arith.constant 0 : i32
    %dma_wait3A_66 = arith.constant 0 : i32
    %dma_wait3A_67 = arith.constant 0 : i32
    %dma_wait3A_68 = tpu.memref_slice %arg4[%dma_wait3A_64, %dma_wait3A_65, %dma_wait3A, %dma_wait3A_66, %dma_wait3A_67] : memref<200x4x32x8x128xf32, #tpu.memory_space<hbm>> -> memref<5x4x1x8x128xf32, #tpu.memory_space<hbm>>
    %dma_wait3A_69 = tpu.memref_squeeze %dma_wait3A_68 : memref<5x4x1x8x128xf32, #tpu.memory_space<hbm>> -> memref<5x4x8x128xf32, #tpu.memory_space<hbm>>
    %dma_wait3A_70 = arith.constant 0 : i32
    %dma_wait3A_71 = arith.constant 0 : i32
    %dma_wait3A_72 = arith.constant 0 : i32
    %dma_wait3A_73 = arith.constant 0 : i32
    %dma_wait3A_74 = tpu.memref_slice %arg4[%dma_wait3A_70, %dma_wait3A_71, %dma_wait3A, %dma_wait3A_72, %dma_wait3A_73] : memref<200x4x32x8x128xf32, #tpu.memory_space<hbm>> -> memref<5x4x1x8x128xf32, #tpu.memory_space<hbm>>
    %dma_wait3A_75 = tpu.memref_squeeze %dma_wait3A_74 : memref<5x4x1x8x128xf32, #tpu.memory_space<hbm>> -> memref<5x4x8x128xf32, #tpu.memory_space<hbm>>
    %dma_wait3A_76 = arith.constant 0 : i32
    %dma_wait3A_77 = arith.constant 0 : i32
    %dma_wait3A_78 = arith.constant 0 : i32
    %dma_wait3A_79 = arith.constant 0 : i32
    %dma_wait3A_80 = tpu.memref_slice %arg9[%dma_wait3A_76, %dma_wait3A_77, %dma_wait3A_78, %dma_wait3A_79] : memref<5x4x8x136xf32, #tpu.memory_space<vmem>> -> memref<5x4x8x128xf32, #tpu.memory_space<vmem>>
    tpu.wait_dma2 semaphore(%arg13 : memref<!tpu.dma_semaphore, #tpu.memory_space<semaphore_mem>>) src(%dma_wait3A_80 : memref<5x4x8x128xf32, #tpu.memory_space<vmem>>) dst(%dma_wait3A_75 : memref<5x4x8x128xf32, #tpu.memory_space<hbm>>)
    %dma_wait3A_81 = arith.constant 0 : i32
    %dma_wait3A_82 = arith.constant 0 : i32
    %dma_wait3A_83 = arith.constant 0 : i32
    %dma_wait3A_84 = arith.constant 0 : i32
    %dma_wait3A_85 = arith.constant 0 : i32
    %dma_wait3A_86 = tpu.memref_slice %arg10[%dma_wait3A_82, %dma_wait3A_83, %dma_wait3A_84, %dma_wait3A_85] : memref<5x4x8x136xf32, #tpu.memory_space<vmem>> -> memref<5x4x8x128xf32, #tpu.memory_space<vmem>>
    %dma_wait3A_87 = arith.constant 0 : i32
    %dma_wait3A_88 = arith.constant 0 : i32
    %dma_wait3A_89 = arith.constant 0 : i32
    %dma_wait3A_90 = arith.constant 0 : i32
    %dma_wait3A_91 = tpu.memref_slice %arg4[%dma_wait3A_87, %dma_wait3A_88, %dma_wait3A_81, %dma_wait3A_89, %dma_wait3A_90] : memref<200x4x32x8x128xf32, #tpu.memory_space<hbm>> -> memref<5x4x1x8x128xf32, #tpu.memory_space<hbm>>
    %dma_wait3A_92 = tpu.memref_squeeze %dma_wait3A_91 : memref<5x4x1x8x128xf32, #tpu.memory_space<hbm>> -> memref<5x4x8x128xf32, #tpu.memory_space<hbm>>
    %dma_wait3A_93 = arith.constant 0 : i32
    %dma_wait3A_94 = arith.constant 0 : i32
    %dma_wait3A_95 = arith.constant 0 : i32
    %dma_wait3A_96 = arith.constant 0 : i32
    %dma_wait3A_97 = tpu.memref_slice %arg4[%dma_wait3A_93, %dma_wait3A_94, %dma_wait3A_81, %dma_wait3A_95, %dma_wait3A_96] : memref<200x4x32x8x128xf32, #tpu.memory_space<hbm>> -> memref<5x4x1x8x128xf32, #tpu.memory_space<hbm>>
    %dma_wait3A_98 = tpu.memref_squeeze %dma_wait3A_97 : memref<5x4x1x8x128xf32, #tpu.memory_space<hbm>> -> memref<5x4x8x128xf32, #tpu.memory_space<hbm>>
    %dma_wait3A_99 = arith.constant 0 : i32
    %dma_wait3A_100 = arith.constant 0 : i32
    %dma_wait3A_101 = arith.constant 0 : i32
    %dma_wait3A_102 = arith.constant 0 : i32
    %dma_wait3A_103 = tpu.memref_slice %arg10[%dma_wait3A_99, %dma_wait3A_100, %dma_wait3A_101, %dma_wait3A_102] : memref<5x4x8x136xf32, #tpu.memory_space<vmem>> -> memref<5x4x8x128xf32, #tpu.memory_space<vmem>>
    tpu.wait_dma2 semaphore(%arg14 : memref<!tpu.dma_semaphore, #tpu.memory_space<semaphore_mem>>) src(%dma_wait3A_103 : memref<5x4x8x128xf32, #tpu.memory_space<vmem>>) dst(%dma_wait3A_98 : memref<5x4x8x128xf32, #tpu.memory_space<hbm>>)
    return
  }
}

module attributes {stable_mosaic.version = 14 : i64} {
  func.func @_tab_transpose_body(%arg0: i32, %arg1: memref<32x16384xf32, #tpu.memory_space<vmem>>, %arg2: memref<32x16384xf32, #tpu.memory_space<vmem>>, %arg3: memref<32x16384xf32, #tpu.memory_space<vmem>>, %arg4: memref<32x16384xf32, #tpu.memory_space<vmem>>, %arg5: memref<16384x128xf32, #tpu.memory_space<vmem>>) attributes {dimension_semantics = [#tpu.dimension_semantics<arbitrary>], iteration_bounds = array<i64: 16>, scalar_prefetch = 0 : i64, scratch_operands = 0 : i64, tpu.core_type = #tpu.core_type<tc>, window_params = [{transform_indices = @transform_0, window_bounds = array<i64: 32, 16384>}, {transform_indices = @transform_1, window_bounds = array<i64: 32, 16384>}, {transform_indices = @transform_2, window_bounds = array<i64: 32, 16384>}, {transform_indices = @transform_3, window_bounds = array<i64: 32, 16384>}, {transform_indices = @transform_4, window_bounds = array<i64: 16384, 128>}]} {
    %get3A = arith.constant 0 : index
    %get3A_0 = arith.constant 0 : index
    %get3A_1 = vector.load %arg1[%get3A, %get3A_0] : memref<32x16384xf32, #tpu.memory_space<vmem>>, vector<32x16384xf32>
    %get3A_2 = arith.constant 0 : index
    %get3A_3 = arith.constant 0 : index
    %get3A_4 = vector.load %arg2[%get3A_2, %get3A_3] : memref<32x16384xf32, #tpu.memory_space<vmem>>, vector<32x16384xf32>
    %get3A_5 = arith.constant 0 : index
    %get3A_6 = arith.constant 0 : index
    %get3A_7 = vector.load %arg3[%get3A_5, %get3A_6] : memref<32x16384xf32, #tpu.memory_space<vmem>>, vector<32x16384xf32>
    %get3A_8 = arith.constant 0 : index
    %get3A_9 = arith.constant 0 : index
    %get3A_10 = vector.load %arg4[%get3A_8, %get3A_9] : memref<32x16384xf32, #tpu.memory_space<vmem>>, vector<32x16384xf32>
    %concatenate3A = tpu.concatenate %get3A_1, %get3A_4, %get3A_7, %get3A_10 in 0 : vector<32x16384xf32>, vector<32x16384xf32>, vector<32x16384xf32>, vector<32x16384xf32> -> vector<128x16384xf32>
    %transpose3A = tpu.transpose %concatenate3A, [1, 0] : vector<128x16384xf32> -> vector<16384x128xf32>
    %mul3A = arith.constant 5.65685415 : f32
    %mul3A_11 = vector.broadcast %mul3A : f32 to vector<16384x128xf32>
    %mul3A_12 = arith.mulf %transpose3A, %mul3A_11 : vector<16384x128xf32>
    %swap3A = arith.constant 0 : index
    %swap3A_13 = arith.constant 0 : index
    %swap3A_14 = vector.load %arg5[%swap3A, %swap3A_13] : memref<16384x128xf32, #tpu.memory_space<vmem>>, vector<16384x128xf32>
    tpu.vector_store %arg5[%swap3A, %swap3A_13], %mul3A_12 {strides = array<i32>} : memref<16384x128xf32, #tpu.memory_space<vmem>>, vector<16384x128xf32>,
    return
  }
  func.func @transform_0(%arg0: i32) -> (i32, i32) {
    %mul3A = arith.constant 4 : i32
    %mul3A_0 = arith.muli %mul3A, %arg0 : i32
    %add3A = arith.constant 0 : i32
    %add3A_1 = arith.addi %mul3A_0, %add3A : i32
    %min3A = arith.constant 61 : i32
    %min3A_2 = arith.minsi %add3A_1, %min3A : i32
    %c0_i32 = arith.constant 0 : i32
    %c0_i32_3 = arith.constant 0 : i32
    return %c0_i32, %min3A_2 : i32, i32
  }
  func.func @transform_1(%arg0: i32) -> (i32, i32) {
    %mul3A = arith.constant 4 : i32
    %mul3A_0 = arith.muli %mul3A, %arg0 : i32
    %add3A = arith.constant 1 : i32
    %add3A_1 = arith.addi %mul3A_0, %add3A : i32
    %min3A = arith.constant 61 : i32
    %min3A_2 = arith.minsi %add3A_1, %min3A : i32
    %c0_i32 = arith.constant 0 : i32
    %c0_i32_3 = arith.constant 0 : i32
    return %c0_i32, %min3A_2 : i32, i32
  }
  func.func @transform_2(%arg0: i32) -> (i32, i32) {
    %mul3A = arith.constant 4 : i32
    %mul3A_0 = arith.muli %mul3A, %arg0 : i32
    %add3A = arith.constant 2 : i32
    %add3A_1 = arith.addi %mul3A_0, %add3A : i32
    %min3A = arith.constant 61 : i32
    %min3A_2 = arith.minsi %add3A_1, %min3A : i32
    %c0_i32 = arith.constant 0 : i32
    %c0_i32_3 = arith.constant 0 : i32
    return %c0_i32, %min3A_2 : i32, i32
  }
  func.func @transform_3(%arg0: i32) -> (i32, i32) {
    %mul3A = arith.constant 4 : i32
    %mul3A_0 = arith.muli %mul3A, %arg0 : i32
    %add3A = arith.constant 3 : i32
    %add3A_1 = arith.addi %mul3A_0, %add3A : i32
    %min3A = arith.constant 61 : i32
    %min3A_2 = arith.minsi %add3A_1, %min3A : i32
    %c0_i32 = arith.constant 0 : i32
    %c0_i32_3 = arith.constant 0 : i32
    return %c0_i32, %min3A_2 : i32, i32
  }
  func.func @transform_4(%arg0: i32) -> (i32, i32) {
    %c0_i32 = arith.constant 0 : i32
    %c0_i32_0 = arith.constant 0 : i32
    return %arg0, %c0_i32 : i32, i32
  }
}

</mosaic_0001>

<sc_bundles>
// kernel: kernel.4.cloned.1.call-start
scs
__scs_entry_jumppad:
0x0: {  	(pc) =	sbr.rel $0x88, $3  }
0x1: {  	(tag) =	ssettag $0x0;
	lr =	simm.s32 $0x1  }
0x2: {  	[smem:$0x3F9F] =	sst lr;
	_ =	strace $0xD0000000  }
0x3: {  	_ = 	snop  }
0x4: {  	_ = 	snop  }
0x5: {  	_ = 	snop  }
0x6: {  	_ = 	snop  }
0x7: {  	_ = 	snop  }
__scs_overlays_trampoline_lowered:
0x8: {  	[smem:$0x3FAE] =	sst s0  }
0x9: {  	[smem:$0x3FAF] =	sst s1  }
0xa: {  	[smem:$0x3FB0] =	sst s2  }
0xb: {  	[smem:$0x3FB1] =	sst s3  }
0xc: {  	[smem:$0x3FB2] =	sst s4  }
0xd: {  	[smem:$0x3FB3] =	sst s5  }
0xe: {  	[smem:$0x3FB4] =	sst s6  }
0xf: {  	[smem:$0x3FB5] =	sst s7  }
0x10: {  	[smem:$0x3FB6] =	sst s8  }
0x11: {  	[smem:$0x3FB7] =	sst s9;
	s0 =	simm.s32 @!p0 $0x0  }
0x12: {  	s1 =	sld [smem:$0x3F9D];
	s0 =	simm.s32 @p0 $0x1  }
0x13: {  	[smem:$0x3FB8] =	sst s0;
	s0 =	simm.s32 @!p1 $0x0  }
0x14: {  	s2 =	sld [smem:$0x3F9C];
	s0 =	simm.s32 @p1 $0x1  }
0x15: {  	[smem:$0x3FB9] =	sst s0;
	s0 =	simm.s32 @!p2 $0x0  }
0x16: {  	s3 =	sld [smem:$0x3FDB];
	s0 =	simm.s32 @p2 $0x1  }
0x17: {  	s4 =	simm.s32 $0x1BF5;
	[smem:$0x3FBB] =	sst s0  }
0x18: {  	s0 =	sld [smem:$0x3F9E];
	_ =	swait.ge [sflag:s4], $0x0  }
0x19: {  	s7 =	sld [smem:$0x3F9F]  }
0x1a: {  	s8 =	sadd.s32 $0xFFFFE003, lr  }
0x1b: {  	s9 =	sadd.s32 $0xFFFFFEF7, lr;
	s5 =	simm.s32 $0xFFFFFFFF;
	p2 =	slt.u32 s8, $0xFFFFF086  }
0x1c: {  	p1 =	slt.u32 s9, $0xF7A;
	s5 =	simm.s32 @!p2 $0x0  }
0x1d: {  	s5 =	simm.s32 @p1 $0x1;
	p0 =	seq.s32 s7, s2  }
0x1e: {  	s7 =	smul.u32 @!p0 $0xF7A, s2;
	p2 =	seq.s32 @!p0 s5, $0x0  }
0x1f: {  	s9 =	smul.u32 $0xF7A, s1;
	s8 =	simm.s32 @!p0 $0x1BF5;
	p2 =	por !p2, p0  }
0x20: {  	[sflag:s8] =	ssyncset.s32 @!p0 $0xFFFFF086;
	s6 =	sadd.s32 @!p0 s3, s7;
	s7 =	simm.s32 @!p0 $0x108  }
0x21: {  	s3 =	sadd.s32 s3, s9;
	s6 =	sadd.s32 @!p0 $0x88, s6;
	s7 =	simm.s32 @p2 $0x1082  }
0x22: {  	[simem:s7], [sflag:s8] =	dma.local @!p0 [hbm:s6], $0xF7A  }
0x23: {  	s9 =	sor.u32 $0xD0000000, s2;
	s6 =	simm.s32 $0x108;
	_ =	swait.ge @!p0 [sflag:s8], $0x0  }
0x24: {  	s3 =	sadd.s32 $0x88, s3;
	s6 =	simm.s32 @!p1 $0x1082;
	[sflag:s4] =	ssyncset.s32 $0xFFFFF086  }
0x25: {  	[simem:s6], [sflag:s4] =	dma.local [hbm:s3], $0xF7A  }
0x26: {  	[smem:$0x3F9F] =	sst s1;
	(tag) =	ssettag s2;
	_ =	strace s9  }
0x27: {  	s1 =	sld [smem:$0x3FAF]  }
0x28: {  	s2 =	sld [smem:$0x3FB0]  }
0x29: {  	s4 =	sld [smem:$0x3FB2]  }
0x2a: {  	p0 =	seq.s32 s5, $0x0;
	s5 =	sld [smem:$0x3FB3]  }
0x2b: {  	s6 =	sld [smem:$0x3FB4]  }
0x2c: {  	s7 =	sld [smem:$0x3FB5]  }
0x2d: {  	s3 =	simm.s32 $0x108;
	s8 =	sld [smem:$0x3FB6]  }
0x2e: {  	s3 =	simm.s32 @!p0 $0x1082;
	s9 =	sld [smem:$0x3FB7]  }
0x2f: {  	lr =	sadd.s32 s0, s3;
	s0 =	sld [smem:$0x3FAE]  }
0x30: {  	s3 =	sld [smem:$0x3FB1]  }
0x31: {  	[smem:$0x3FBA] =	sst s10  }
0x32: {  	s10 =	sld [smem:$0x3FB8];
	_ =	sdelay $0x3  }
0x33: {  	p0 =	seq.s32 s10, $0x1;
	s10 =	sld [smem:$0x3FBA];
	_ =	sdelay $0x3  }
0x34: {  	[smem:$0x3FBA] =	sst s10  }
0x35: {  	s10 =	sld [smem:$0x3FB9];
	_ =	sdelay $0x3  }
0x36: {  	p1 =	seq.s32 s10, $0x1;
	s10 =	sld [smem:$0x3FBA];
	_ =	sdelay $0x3  }
0x37: {  	[smem:$0x3FBA] =	sst s10  }
0x38: {  	s10 =	sld [smem:$0x3FBB]  }
0x39: {  	_ = 	snop;
	(pc) =	sbr.ind lr, $3  }
0x3a: {  	_ = 	snop  }
0x3b: {  	_ = 	snop  }
0x3c: {  	p2 =	seq.s32 s10, $0x1;
	s10 =	sld [smem:$0x3FBA]  }
0x3d: {  	_ =	shalt  }
0x3e: {  	_ =	shalt  }
0x3f: {  	_ =	shalt  }
0x40: {  	_ =	shalt  }
0x41: {  	_ =	shalt  }
0x42: {  	_ =	shalt  }
0x43: {  	_ =	shalt  }
0x44: {  	_ =	shalt  }
0x45: {  	_ =	shalt  }
0x46: {  	_ =	shalt  }
0x47: {  	_ =	shalt  }
0x48: {  	_ =	shalt  }
0x49: {  	_ =	shalt  }
0x4a: {  	_ =	shalt  }
0x4b: {  	_ =	shalt  }
0x4c: {  	_ =	shalt  }
0x4d: {  	_ =	shalt  }
0x4e: {  	_ =	shalt  }
0x4f: {  	_ =	shalt  }
0x50: {  	_ =	shalt  }
0x51: {  	_ =	shalt  }
0x52: {  	_ =	shalt  }
0x53: {  	_ =	shalt  }
0x54: {  	_ =	shalt  }
0x55: {  	_ =	shalt  }
0x56: {  	_ =	shalt  }
0x57: {  	_ =	shalt  }
0x58: {  	_ =	shalt  }
0x59: {  	_ =	shalt  }
0x5a: {  	_ =	shalt  }
0x5b: {  	_ =	shalt  }
0x5c: {  	_ =	shalt  }
0x5d: {  	_ =	shalt  }
0x5e: {  	_ =	shalt  }
0x5f: {  	_ =	shalt  }
0x60: {  	_ =	shalt  }
0x61: {  	_ =	shalt  }
0x62: {  	_ =	shalt  }
0x63: {  	_ =	shalt  }
0x64: {  	_ =	shalt  }
0x65: {  	_ =	shalt  }
0x66: {  	_ =	shalt  }
0x67: {  	_ =	shalt  }
0x68: {  	_ =	shalt  }
0x69: {  	_ =	shalt  }
0x6a: {  	_ =	shalt  }
0x6b: {  	_ =	shalt  }
0x6c: {  	_ =	shalt  }
0x6d: {  	_ =	shalt  }
0x6e: {  	_ =	shalt  }
0x6f: {  	_ =	shalt  }
0x70: {  	_ =	shalt  }
0x71: {  	_ =	shalt  }
0x72: {  	_ =	shalt  }
0x73: {  	_ =	shalt  }
0x74: {  	_ =	shalt  }
0x75: {  	_ =	shalt  }
0x76: {  	_ =	shalt  }
0x77: {  	_ =	shalt  }
0x78: {  	_ =	shalt  }
0x79: {  	_ =	shalt  }
0x7a: {  	_ =	shalt  }
0x7b: {  	_ =	shalt  }
0x7c: {  	_ =	shalt  }
0x7d: {  	_ =	shalt  }
0x7e: {  	_ =	shalt  }
0x7f: {  	_ =	shalt  }
0x80: {  	_ =	shalt  }
0x81: {  	_ =	shalt  }
0x82: {  	_ =	shalt  }
0x83: {  	_ =	shalt  }
0x84: {  	_ =	shalt  }
0x85: {  	_ =	shalt  }
0x86: {  	_ =	shalt  }
0x87: {  	_ =	shalt  }
.Lfunc_end0:
.L_simem_size_0:
called_computation_lowered:
.L_overlay_start_0:
0x88: {  	s2 =	sld [smem:$0x3FD9]  }
0x89: {  	s3 =	sld [smem:$0x3FFE];
	_ =	sdelay $0x1  }
0x8a: {  	s1 =	srdreg.scid  }
0x8b: {  	s0 =	sand.u32 $0x1, s1  }
0x8c: {  	s17 =	sshll.u32 s0, $0xA;
	s2 =	sadd.s32 s3, s2  }
0x8d: {  	s2 =	sadd.s32 s2, s17  }
0x8e: {  	[smem:$0x3FC6] =	sst s2  }
0x8f: {  	_ = 	snop  }
0x90: {  	s2 =	sld [smem:$0x3FD0];
	(tm) =	ssettm $0x1  }
0x91: {  	s18 =	sld [smem:$0x3FFB];
	_ =	sdelay $0x3  }
0x92: {  	_ =	strace s18  }
0x93: {  	s3 =	sld [smem:$0x3FFC];
	_ =	sdelay $0x3  }
0x94: {  	_ =	strace s3  }
0x95: {  	s3 =	sld [smem:$0x3FFD];
	_ =	sdelay $0x3  }
0x96: {  	_ =	strace s3  }
0x97: {  	_ =	strace $0x8FFFFFFF  }
0x98: {  	s19 =	sld [smem:$0x3FDB];
	_ =	sdelay $0x1  }
0x99: {  	s4 =	simm.s32 $_scs_section_size  }
0x9a: {  	s5 =	simm.s32 $_size__tile_overlayer_lowered;
	s6 =	simm.s32 $_tile_overlayer_lowered  }
0x9b: {  	s22 =	simm.s32 $0x1BFF;
	s21 =	sshll.u32 s6, $0x1;
	s3 =	sadd.s32 s4, s19  }
0x9c: {  	s7 =	simm.s32 $0x0;
	s20 =	sshll.u32 s5, $0x1;
	s5 =	sadd.s32 s21, s3  }
0x9d: {  	[timem:s7], [sflag:s22] =	dma.local [hbm:s5], s20  }
0x9e: {  	_ =	swait.ge [sflag:s22], s20  }
0x9f: {  	s4 =	ssub.s32 $0x0, s20;
	[sflag:s22] =	ssyncset.done $0x0  }
0xa0: {  	[sflag:s22] =	ssyncadd.s32 s4;
	_ =	sdelay $0x1  }
0xa1: {  	s23 =	simm.s32 $0x1B8B  }
0xa2: {  	_ =	swait.ge [sflag:s23], $0x1  }
0xa3: {  	[sflag:s23] =	ssyncset.done $0x0  }
0xa4: {  	s25 =	simm.s32 $0x1B8E;
	s24 =	sld [smem:$0x3FFE];
	[sflag:s23] =	ssyncadd.s32 $0xFFFFFFFF  }
0xa5: {  	s26 =	simm.s32 $execute0_lowered;
	[smem:$0x3FD2] =	sst s25  }
0xa6: {  	s5 =	sshll.u32 s26, $0x1;
	_ =	strace $0x80000046;
	[dreg:$0x1] =	wrdreg $0xFFFFFFFF  }
0xa7: {  	s28 =	simm.s32 $_size_execute0_lowered;
	s3 =	sadd.s32 s3, s5;
	[dreg:$0x0] =	wrdreg $0x0  }
0xa8: {  	s5 =	sshll.u32 s28, $0x1;
	[dreg:$0x2] =	wrdreg s3  }
0xa9: {  	[dreg:$0x3] =	wrdreg s5  }
0xaa: {  	[dreg:$0x4] =	wrdreg $0xC0  }
0xab: {  	_ =	task [dreg:s7], $0x5FFFF  }
0xac: {  	[dreg:$0x1] =	wrdreg $0xFFFFFFFF  }
0xad: {  	[dreg:$0x0] =	wrdreg $0x60  }
0xae: {  	[dreg:$0x2] =	wrdreg s24  }
0xaf: {  	[dreg:$0x3] =	wrdreg s2  }
0xb0: {  	[dreg:$0x4] =	wrdreg $0x9  }
0xb1: {  	_ =	task.clear_ibuf [dreg:s7], $0x5FFFF;
	_ =	strace $0x90000046  }
0xb2: {  	s29 =	simm.s32 $0x9;
	_ =	strace $0x80000048  }
0xb3: {  	_ =	swait.ge [sflag:s29], $0x1  }
0xb4: {  	[sflag:s29] =	ssyncadd.s32 $0xFFFFFFFF  }
0xb5: {  	_ =	strace $0x90000048  }
0xb6: {  	_ =	sfence  }
0xb7: {  	s30 =	sld [smem:$0x0];
	_ =	sdelay $0x2  }
0xb8: {  	s31 =	sshll.u32 s1, $0xD;
	s1 =	sshrl.u32 s1, $0x2  }
0xb9: {  	s3 =	sand.u32 $0x4000, s31;
	s1 =	sadd.s32 s1, s30  }
0xba: {  	s0 =	sor.u32 s3, s0;
	s1 =	sshll.u32 s1, $0x11  }
0xbb: {  	s0 =	sor.u32 s1, s0  }
0xbc: {  	s0 =	sadd.s32 $0x8F2B, s0  }
0xbd: {  	[sflag:s0] =	ssyncadd.remote.s32 $0x1  }
0xbe: {  	_ =	sfence.sel $0xFFFF  }
0xbf: {  	[dreg:$0x0] =	wrdreg $0xFFFFFFFF;
	(pc) =	sbr.abs _section_cstart, $3  }
0xc0: {  	[dreg:$0x1] =	wrdreg $0xFFFFFFFF  }
0xc1: {  	_ =	task.clear_ibuf [dreg:s7], $0x2FFFF;
	_ =	strace $0x9FFFFFFF  }
0xc2: {  	(tm) =	ssettm $0x7FFFFFFF  }
0xc3: {  	_ =	shalt  }
tec
execute0_lowered:
.L_overlay_start_1:
0x0: {  	(tag) =	ssettag $0x1  }
0x1: {  	s0 =	rddreg [dreg:$0x0]  }
0x2: {  	s1 =	rddreg [dreg:$0x1]  }
0x3: {  	s3 =	simm.s32 $0x0;
	s2 =	srdreg.scid;
	s5 =	stileid.u32  }
0x4: {  	s11 =	simm.s32 $0x80;
	s12 =	simm.s32 $0x1000;
	s13 =	simm.s32 $0x5  }
0x5: {  	s22 =	simm.s32 $0x280;
	s28 =	simm.s32 $0x7500;
	s29 =	simm.s32 $0x400  }
0x6: {  	s30 =	simm.s32 $0x8500;
	s31 =	simm.s32 $0x480;
	s14 =	simm.s32 $0xA500  }
0x7: {  	s15 =	simm.s32 $0x2;
	s16 =	simm.s32 $0xFA00;
	s17 =	simm.s32 $0x0  }
0x8: {  	[smem:$0x7FF] =	sst s3;
	s4 =	sadd.s32 $0x400, s0;
	s2 =	sand.u32 $0x1, s2  }
0x9: {  	v0 =	vlaneseq.u32;
	s6 =	sshll.u32 s5, $0x1;
	s5 =	sadd.s32 $0x19400, s0;
	_ =	strace $0x80000047  }
.Ltmp0:
0xa: {  	v0 =	vmul.u32 $0x88, v0;
	s25 =	ssub.s32 $0x2, s2;
	s2 =	sor.u32 s2, s6;
	(pc) =	sbr.rel .LBB2_1-.Ltmp0, $4  }
0xb: {  	s7 =	sshrl.u32 s25, $0x1;
	s6 =	sshll.u32 s2, $0x7;
	s8 =	sshll.u32 s2, $0x4  }
0xc: {  	s9 =	sshll.u32 s2, $0xA;
	v1 =	vadd.s32 $0x880, v0;
	v2 =	vadd.s32 $0x1100, v0;
	v3 =	vadd.s32 $0x1980, v0;
	s0 =	ssub.s32 s25, s7;
	s26 =	sadd.s32 s4, s8  }
0xd: {  	s2 =	simm.s32 $0x1;
	v4 =	vadd.s32 $0x2200, v0;
	v5 =	vadd.s32 $0x2A80, v0;
	v6 =	vadd.s32 $0x3300, v0;
	[dreg:$0x3] =	wrdreg s26;
	s0 =	smax.u32 s0, $0x1  }
0xe: {  	v7 =	vadd.s32 $0x3B80, v0;
	v8 =	vadd.s32 $0x4400, v0;
	v9 =	vadd.s32 $0x4C80, v0;
	s8 =	sor.u32 $0xA000, s6;
	[dreg:$0x4] =	wrdreg s0;
	s0 =	simm.s32 $0x9500  }
.LBB2_61:
0xf: {  	s7 =	simm.s32 $0x3  }
0x10: {  	_ =	swait.ge [sflag:s7], $0x5000  }
0x11: {  	[sflag:s7] =	ssyncset.done $0x0  }
0x12: {  	s10 =	simm.s32 $0x4;
	[sflag:s7] =	ssyncadd.s32 $0xFFFFB000  }
0x13: {  	_ =	swait.ge [sflag:s10], $0x5000  }
0x14: {  	s17 =	rddreg [dreg:$0x5]  }
0x15: {  	s26 =	rddreg [dreg:$0x4];
	s17 =	sadd.s32 $0x1, s17  }
0x16: {  	p0 =	sne.s32 s17, s26  }
.Ltmp1:
0x17: {  	_ = 	snop;
	(pc) =	sbr.rel @!p0 .LBB2_62-.Ltmp1, $3  }
0x18: {  	_ =	sdelay $0x1  }
0x19: {  	[sflag:s10] =	ssyncset.done $0x0  }
0x1a: {  	[sflag:s10] =	ssyncadd.s32 $0xFFFFB000  }
.LBB2_1:
0x1b: {  	[dreg:$0x5] =	wrdreg s17  }
0x1c: {  	s7 =	rddreg [dreg:$0x3]  }
0x1d: {  	[tilespmem:s3], [sflag:$0x5] =	stream.strided.gather [hbm4b:s7+s11], $0x280, s12, s11, $0x38;
	[tilespmem:$0x14F00] =	vst v63  }
0x1e: {  	_ =	swait.ge [sflag:s13], $0x280  }
0x1f: {  	[sflag:s13] =	ssyncset.done $0x0  }
0x20: {  	s19 =	simm.s32 $0x500;
	[sflag:s13] =	ssyncadd.s32 $0xFFFFFD80  }
0x21: {  	[tilespmem:s19], [sflag:$0x1] =	stream.indirect.gather [hbm4b:s5+s11], $0x20, s3, s11, $0xb8;
	[tilespmem:$0x14F00] =	vst v63  }
0x22: {  	s20 =	simm.s32 $0x1500  }
0x23: {  	[tilespmem:s20], [sflag:$0x1] =	stream.indirect.gather [hbm4b:s5+s11], $0x20, s11, s11, $0xb8;
	[tilespmem:$0x14F00] =	vst v63  }
0x24: {  	s21 =	simm.s32 $0x100;
	s10 =	simm.s32 $0x2500  }
0x25: {  	[tilespmem:s10], [sflag:$0x1] =	stream.indirect.gather [hbm4b:s5+s11], $0x20, s21, s11, $0xb8;
	[tilespmem:$0x14F00] =	vst v63  }
0x26: {  	s23 =	simm.s32 $0x180;
	s24 =	simm.s32 $0x3500  }
0x27: {  	[tilespmem:s24], [sflag:$0x1] =	stream.indirect.gather [hbm4b:s5+s11], $0x20, s23, s11, $0xb8;
	[tilespmem:$0x14F00] =	vst v63  }
0x28: {  	s25 =	simm.s32 $0x200;
	s26 =	simm.s32 $0x4500;
	s20 =	simm.s32 $0x0  }
0x29: {  	[tilespmem:s26], [sflag:$0x1] =	stream.indirect.gather [hbm4b:s5+s11], $0x20, s25, s11, $0xb8;
	[tilespmem:$0x14F00] =	vst v63  }
.LBB2_2:
0x2a: {  	s7 =	smul.u32 $0xA, s20;
	_ =	sdelay $0x1  }
0x2b: {  	p0 =	seq.s32 s20, $0x0;
	s21 =	sadd.s32 $0x5, s7  }
0x2c: {  	s7 =	simm.s32 @!p0 $0x4;
	s10 =	sshll.u32 s21, $0xC  }
0x2d: {  	_ =	swait.ge @!p0 [sflag:s7], $0x5000;
	s10 =	sor.u32 s6, s10  }
0x2e: {  	[sflag:s7] =	ssyncset.done @!p0 $0x0;
	s10 =	sshrl.u32 s10, $0x3  }
0x2f: {  	[sflag:s7] =	ssyncadd.s32 @!p0 $0xFFFFB000;
	s23 =	sadd.s32 s4, s10  }
0x30: {  	[tilespmem:s22], [sflag:$0x5] =	stream.strided.gather [hbm4b:s23+s11], $0x280, s12, s11, $0x38;
	[tilespmem:$0x14F00] =	vst v63  }
0x31: {  	_ =	swait.ge [sflag:s13], $0x280  }
0x32: {  	[sflag:s13] =	ssyncset.done $0x0  }
0x33: {  	s24 =	simm.s32 $0x5500;
	[sflag:s13] =	ssyncadd.s32 $0xFFFFFD80  }
0x34: {  	[tilespmem:s24], [sflag:$0x2] =	stream.indirect.gather [hbm4b:s5+s11], $0x20, s22, s11, $0xb8;
	[tilespmem:$0x14F00] =	vst v63  }
0x35: {  	s25 =	simm.s32 $0x300;
	s26 =	simm.s32 $0x6500  }
0x36: {  	[tilespmem:s26], [sflag:$0x2] =	stream.indirect.gather [hbm4b:s5+s11], $0x20, s25, s11, $0xb8;
	[tilespmem:$0x14F00] =	vst v63  }
0x37: {  	s10 =	simm.s32 $0x380  }
0x38: {  	[tilespmem:s28], [sflag:$0x2] =	stream.indirect.gather [hbm4b:s5+s11], $0x20, s10, s11, $0xb8;
	[tilespmem:$0x14F00] =	vst v63  }
0x39: {  	_ = 	snop  }
0x3a: {  	[tilespmem:s30], [sflag:$0x2] =	stream.indirect.gather [hbm4b:s5+s11], $0x20, s29, s11, $0xb8;
	[tilespmem:$0x14F00] =	vst v63  }
0x3b: {  	_ = 	snop  }
0x3c: {  	[tilespmem:s0], [sflag:$0x2] =	stream.indirect.gather [hbm4b:s5+s11], $0x20, s31, s11, $0xb8;
	[tilespmem:$0x14F00] =	vst v63  }
0x3d: {  	s17 =	simm.s32 $0x3;
	_ =	swait.ge [sflag:s2], $0x5000  }
0x3e: {  	s18 =	simm.s32 $0x0;
	v10 =	vmov s17;
	[sflag:s2] =	ssyncset.done $0x0  }
0x3f: {  	s17 =	simm.s32 $0x540;
	v11 =	vmov s18;
	v15 =	vand.u32 $0x7F, v10;
	[sflag:s2] =	ssyncadd.s32 $0xFFFFB000  }
0x40: {  	v14 =	vand.u32 $0x7C, v11;
	v11 =	vadd.s32 v0, v15;
	v10 =	vld [tilespmem:s17+$0x20]  }
0x41: {  	s19 =	simm.s32 $0x1;
	v18 =	vadd.s32 v0, v14;
	v17 =	vld [tilespmem:s17+$0xFFFFFFC0]  }
0x42: {  	v12 =	vmov s19;
	s23 =	simm.s32 $0x2  }
0x43: {  	v13 =	vand.u32 $0x7D, v12;
	v12 =	vmov s23  }
0x44: {  	v20 =	vadd.s32 v0, v13;
	v12 =	vand.u32 $0x7E, v12;
	v19 =	vld [tilespmem:s17+$0xFFFFFFE0]  }
0x45: {  	v23 =	vadd.s32 v0, v12;
	s24 =	simm.s32 $0x7;
	v22 =	vld [tilespmem:s17+$0x0];
	[tilespmem:v11+s14+$0x0] =	vst.idx.msk $0xffff, v10  }
0x46: {  	v25 =	vadd.s32 v1, v15;
	v16 =	vmov s24;
	s25 =	simm.s32 $0x4;
	[tilespmem:v18+s14+$0x0] =	vst.idx.msk $0xffff, v17;
	v24 =	vld [tilespmem:s17+$0x30]  }
0x47: {  	v32 =	vadd.s32 v1, v14;
	s26 =	simm.s32 $0x5;
	s10 =	simm.s32 $0x5C0;
	v18 =	vand.u32 $0x7F, v16;
	v17 =	vmov s25;
	v26 =	vld [tilespmem:s17+$0xFFFFFFD0]  }
0x48: {  	s18 =	simm.s32 $0x6;
	v33 =	vld [tilespmem:s10+$0x20];
	v10 =	vmov s26;
	v34 =	vadd.s32 v0, v18;
	v21 =	vand.u32 $0x7C, v17  }
0x49: {  	v29 =	vld [tilespmem:s10+$0xFFFFFFC0];
	[tilespmem:v20+s14+$0x0] =	vst.idx.msk $0xffff, v19;
	v19 =	vmov s18;
	v11 =	vand.u32 $0x7D, v10;
	v31 =	vadd.s32 v0, v21  }
0x4a: {  	v28 =	vld [tilespmem:s10+$0xFFFFFFE0];
	[tilespmem:v23+s14+$0x0] =	vst.idx.msk $0xffff, v22;
	v10 =	vand.u32 $0x7E, v19;
	v30 =	vadd.s32 v0, v11  }
0x4b: {  	v23 =	vld [tilespmem:s10+$0x0];
	v27 =	vadd.s32 v0, v10;
	[tilespmem:v25+s14+$0x0] =	vst.idx.msk $0xffff, v24  }
0x4c: {  	s19 =	simm.s32 $0xC;
	s7 =	simm.s32 $0x8;
	v22 =	vld [tilespmem:s17+$0xFFFFFFF0];
	[tilespmem:v32+s14+$0x0] =	vst.idx.msk $0xffff, v26;
	v24 =	vadd.s32 v1, v13  }
0x4d: {  	s23 =	simm.s32 $0xB;
	s18 =	simm.s32 $0x8;
	v20 =	vmov v11;
	v19 =	vmov v10;
	[tilespmem:v34+s14+$0x0] =	vst.idx.msk $0xffff, v33;
	v25 =	vld [tilespmem:s17+$0x10];
	v26 =	vadd.s32 v1, v12;
	s17 =	simm.s32 $0x5C0  }
.LBB2_3:
0x4e: {  	p0 =	slt.u32 s19, $0x7C;
	v32 =	vmov s23;
	[tilespmem:v31+s14+$0x0] =	vst.idx.msk $0xffff, v29;
	v33 =	vld [tilespmem:s10+$0x30];
	v34 =	vadd.s32 v1, v18  }
0x4f: {  	v29 =	vmov s18;
	s23 =	sadd.s32 $0x1, s18;
	v35 =	vadd.s32 v1, v21;
	s10 =	sadd.s32 $0x80, s10;
	v18 =	vand.u32 $0x7F, v32;
	v32 =	vld [tilespmem:s17+$0xFFFFFFD0];
	[tilespmem:v30+s14+$0x0] =	vst.idx.msk $0xffff, v28  }
0x50: {  	v21 =	vand.u32 $0x7C, v29;
	v28 =	vmov s23;
	s23 =	sadd.s32 $0x2, s18;
	s18 =	smov.u32 s19;
	v36 =	vld [tilespmem:s10+$0x20];
	v37 =	vadd.s32 v0, v18;
	[tilespmem:v27+s14+$0x0] =	vst.idx.msk $0xffff, v23  }
.Ltmp2:
0x51: {  	v31 =	vadd.s32 v0, v21;
	v38 =	vand.u32 $0x7D, v28;
	v23 =	vmov s23;
	v29 =	vld [tilespmem:s10+$0xFFFFFFC0];
	[tilespmem:v24+s14+$0x0] =	vst.idx.msk $0xffff, v22;
	(pc) =	sbr.rel @p0 .LBB2_3-.Ltmp2, $4  }
0x52: {  	v30 =	vadd.s32 v0, v38;
	v39 =	vand.u32 $0x7E, v23;
	v28 =	vld [tilespmem:s10+$0xFFFFFFE0];
	[tilespmem:v26+s14+$0x0] =	vst.idx.msk $0xffff, v25  }
0x53: {  	v27 =	vadd.s32 v0, v39;
	v23 =	vld [tilespmem:s10+$0x0];
	[tilespmem:v34+s14+$0x0] =	vst.idx.msk $0xffff, v33  }
0x54: {  	v24 =	vadd.s32 v1, v20;
	v20 =	vmov v38;
	[tilespmem:v35+s14+$0x0] =	vst.idx.msk $0xffff, v32;
	v22 =	vld [tilespmem:s17+$0xFFFFFFF0]  }
0x55: {  	s19 =	sadd.s32 $0x4, s19;
	s23 =	sadd.s32 $0x3, s18;
	v26 =	vadd.s32 v1, v19;
	v19 =	vmov v39;
	[tilespmem:v37+s14+$0x0] =	vst.idx.msk $0xffff, v36;
	v25 =	vld [tilespmem:s17+$0x10];
	s17 =	smov.u32 s10  }
0x56: {  	_ =	sdelay $0x3  }
0x57: {  	v32 =	vmov s23;
	[tilespmem:v31+s14+$0x0] =	vst.idx.msk $0xffff, v29;
	v49 =	vld [tilespmem:s10+$0x30];
	v18 =	vadd.s32 v1, v18  }
0x58: {  	v50 =	vmov s18;
	s19 =	sadd.s32 $0x1, s18;
	v21 =	vadd.s32 v1, v21;
	s24 =	sadd.s32 $0x80, s10;
	v32 =	vand.u32 $0x7F, v32;
	v33 =	vld [tilespmem:s17+$0xFFFFFFD0];
	[tilespmem:v30+s14+$0x0] =	vst.idx.msk $0xffff, v28  }
0x59: {  	s25 =	sadd.s32 $0x2, s18;
	v51 =	vand.u32 $0x7C, v50;
	v52 =	vmov s19;
	v53 =	vld [tilespmem:s24+$0x20];
	v34 =	vadd.s32 v0, v32;
	[tilespmem:v27+s14+$0x0] =	vst.idx.msk $0xffff, v23  }
0x5a: {  	v35 =	vmov s25;
	v23 =	vld [tilespmem:s24+$0xFFFFFFC0];
	v54 =	vadd.s32 v0, v51;
	v30 =	vand.u32 $0x7D, v52;
	[tilespmem:v24+s14+$0x0] =	vst.idx.msk $0xffff, v22  }
0x5b: {  	v35 =	vand.u32 $0x7E, v35;
	v22 =	vld [tilespmem:s24+$0xFFFFFFE0];
	v55 =	vadd.s32 v0, v30;
	[tilespmem:v26+s14+$0x0] =	vst.idx.msk $0xffff, v25  }
0x5c: {  	v56 =	vld [tilespmem:s24+$0x0];
	v57 =	vadd.s32 v0, v35;
	[tilespmem:v18+s14+$0x0] =	vst.idx.msk $0xffff, v49  }
0x5d: {  	v20 =	vadd.s32 v1, v20;
	v18 =	vld [tilespmem:s17+$0xFFFFFFF0];
	[tilespmem:v21+s14+$0x0] =	vst.idx.msk $0xffff, v33  }
0x5e: {  	v19 =	vadd.s32 v1, v19;
	v21 =	vld [tilespmem:s17+$0x10];
	[tilespmem:v34+s14+$0x0] =	vst.idx.msk $0xffff, v53  }
0x5f: {  	v58 =	vadd.s32 v1, v32;
	[tilespmem:v54+s14+$0x0] =	vst.idx.msk $0xffff, v23;
	v23 =	vld [tilespmem:s24+$0x30]  }
0x60: {  	v28 =	vadd.s32 v1, v51;
	v59 =	vld [tilespmem:s24+$0xFFFFFFD0];
	[tilespmem:v55+s14+$0x0] =	vst.idx.msk $0xffff, v22  }
0x61: {  	v60 =	vadd.s32 v1, v30;
	[tilespmem:v57+s14+$0x0] =	vst.idx.msk $0xffff, v56;
	v22 =	vld [tilespmem:s24+$0xFFFFFFF0]  }
0x62: {  	[tilespmem:v20+s14+$0x0] =	vst.idx.msk $0xffff, v18;
	v18 =	vld [tilespmem:s24+$0x10];
	v20 =	vadd.s32 v1, v35  }
0x63: {  	[tilespmem:v19+s14+$0x0] =	vst.idx.msk $0xffff, v21  }
0x64: {  	[tilespmem:v58+s14+$0x0] =	vst.idx.msk $0xffff, v23  }
0x65: {  	[tilespmem:v28+s14+$0x0] =	vst.idx.msk $0xffff, v59  }
0x66: {  	[tilespmem:v60+s14+$0x0] =	vst.idx.msk $0xffff, v22  }
0x67: {  	s26 =	simm.s32 $0x1570;
	[tilespmem:v20+s14+$0x0] =	vst.idx.msk $0xffff, v18  }
0x68: {  	v19 =	vadd.s32 v2, v15;
	v18 =	vld [tilespmem:s26+$0xFFFFFFF0]  }
0x69: {  	v21 =	vadd.s32 v2, v14;
	v20 =	vld [tilespmem:s26+$0xFFFFFF90];
	_ =	sdelay $0x2  }
0x6a: {  	v23 =	vadd.s32 v2, v13;
	v22 =	vld [tilespmem:s26+$0xFFFFFFB0]  }
0x6b: {  	v61 =	vadd.s32 v2, v12;
	v24 =	vld [tilespmem:s26+$0xFFFFFFD0];
	[tilespmem:v19+s14+$0x0] =	vst.idx.msk $0xffff, v18  }
0x6c: {  	[tilespmem:v21+s14+$0x0] =	vst.idx.msk $0xffff, v20;
	v19 =	vadd.s32 v3, v15;
	v18 =	vld [tilespmem:s26+$0x0]  }
0x6d: {  	v62 =	vadd.s32 v3, v14;
	s10 =	simm.s32 $0x15F0;
	v15 =	vand.u32 $0x7F, v16;
	v16 =	vld [tilespmem:s26+$0xFFFFFFA0]  }
0x6e: {  	v14 =	vand.u32 $0x7C, v17;
	v27 =	vld [tilespmem:s10+$0xFFFFFFF0];
	v63 =	vadd.s32 v2, v15  }
0x6f: {  	[tilespmem:v23+s14+$0x0] =	vst.idx.msk $0xffff, v22;
	v22 =	vld [tilespmem:s10+$0xFFFFFF90];
	v23 =	vadd.s32 v2, v14  }
0x70: {  	[tilespmem:v61+s14+$0x0] =	vst.idx.msk $0xffff, v24;
	v20 =	vld [tilespmem:s10+$0xFFFFFFB0];
	v21 =	vadd.s32 v2, v11  }
0x71: {  	v17 =	vld [tilespmem:s10+$0xFFFFFFD0];
	[tilespmem:v19+s14+$0x0] =	vst.idx.msk $0xffff, v18;
	v19 =	vadd.s32 v2, v10  }
0x72: {  	v13 =	vadd.s32 v3, v13;
	[tilespmem:v62+s14+$0x0] =	vst.idx.msk $0xffff, v16;
	v16 =	vld [tilespmem:s26+$0xFFFFFFC0]  }
0x73: {  	s18 =	simm.s32 $0xC;
	v12 =	vadd.s32 v3, v12;
	s19 =	simm.s32 $0xB;
	s17 =	simm.s32 $0x15F0;
	[tilespmem:v63+s14+$0x0] =	vst.idx.msk $0xffff, v27;
	v18 =	vld [tilespmem:s26+$0xFFFFFFE0]  }
.LBB2_5:
0x74: {  	p0 =	slt.u32 s18, $0x7C;
	v24 =	vmov s19;
	[tilespmem:v23+s14+$0x0] =	vst.idx.msk $0xffff, v22;
	v25 =	vld [tilespmem:s10+$0x0];
	v26 =	vadd.s32 v3, v15  }
0x75: {  	v22 =	vmov s7;
	s19 =	sadd.s32 $0x1, s7;
	v27 =	vadd.s32 v3, v14;
	s10 =	sadd.s32 $0x80, s10;
	v15 =	vand.u32 $0x7F, v24;
	v24 =	vld [tilespmem:s17+$0xFFFFFFA0];
	[tilespmem:v21+s14+$0x0] =	vst.idx.msk $0xffff, v20  }
0x76: {  	v14 =	vand.u32 $0x7C, v22;
	v20 =	vmov s19;
	s19 =	sadd.s32 $0x2, s7;
	s7 =	smov.u32 s18;
	v28 =	vld [tilespmem:s10+$0xFFFFFFF0];
	v29 =	vadd.s32 v2, v15;
	[tilespmem:v19+s14+$0x0] =	vst.idx.msk $0xffff, v17  }
.Ltmp3:
0x77: {  	v23 =	vadd.s32 v2, v14;
	v30 =	vand.u32 $0x7D, v20;
	v17 =	vmov s19;
	v22 =	vld [tilespmem:s10+$0xFFFFFF90];
	[tilespmem:v13+s14+$0x0] =	vst.idx.msk $0xffff, v16;
	(pc) =	sbr.rel @p0 .LBB2_5-.Ltmp3, $4  }
0x78: {  	v21 =	vadd.s32 v2, v30;
	v31 =	vand.u32 $0x7E, v17;
	v20 =	vld [tilespmem:s10+$0xFFFFFFB0];
	[tilespmem:v12+s14+$0x0] =	vst.idx.msk $0xffff, v18  }
0x79: {  	v19 =	vadd.s32 v2, v31;
	v17 =	vld [tilespmem:s10+$0xFFFFFFD0];
	[tilespmem:v26+s14+$0x0] =	vst.idx.msk $0xffff, v25  }
0x7a: {  	v13 =	vadd.s32 v3, v11;
	v11 =	vmov v30;
	[tilespmem:v27+s14+$0x0] =	vst.idx.msk $0xffff, v24;
	v16 =	vld [tilespmem:s17+$0xFFFFFFC0]  }
0x7b: {  	s18 =	sadd.s32 $0x4, s18;
	s19 =	sadd.s32 $0x3, s7;
	v12 =	vadd.s32 v3, v10;
	v10 =	vmov v31;
	[tilespmem:v29+s14+$0x0] =	vst.idx.msk $0xffff, v28;
	v18 =	vld [tilespmem:s17+$0xFFFFFFE0];
	s17 =	smov.u32 s10  }
0x7c: {  	_ =	sdelay $0x3  }
0x7d: {  	v24 =	vmov s19;
	[tilespmem:v23+s14+$0x0] =	vst.idx.msk $0xffff, v22;
	v22 =	vld [tilespmem:s10+$0x0];
	v15 =	vadd.s32 v3, v15  }
0x7e: {  	v23 =	vmov s7;
	s18 =	sadd.s32 $0x1, s7;
	v14 =	vadd.s32 v3, v14;
	s25 =	sadd.s32 $0x80, s10;
	v24 =	vand.u32 $0x7F, v24;
	v25 =	vld [tilespmem:s17+$0xFFFFFFA0];
	[tilespmem:v21+s14+$0x0] =	vst.idx.msk $0xffff, v20  }
0x7f: {  	s26 =	sadd.s32 $0x2, s7;
	v20 =	vand.u32 $0x7C, v23;
	v21 =	vmov s18;
	v23 =	vld [tilespmem:s25+$0xFFFFFFF0];
	v26 =	vadd.s32 v2, v24;
	[tilespmem:v19+s14+$0x0] =	vst.idx.msk $0xffff, v17  }
0x80: {  	v27 =	vmov s26;
	v17 =	vld [tilespmem:s25+$0xFFFFFF90];
	v19 =	vadd.s32 v2, v20;
	v21 =	vand.u32 $0x7D, v21;
	[tilespmem:v13+s14+$0x0] =	vst.idx.msk $0xffff, v16  }
0x81: {  	v27 =	vand.u32 $0x7E, v27;
	v13 =	vld [tilespmem:s25+$0xFFFFFFB0];
	v16 =	vadd.s32 v2, v21;
	[tilespmem:v12+s14+$0x0] =	vst.idx.msk $0xffff, v18  }
0x82: {  	v12 =	vld [tilespmem:s25+$0xFFFFFFD0];
	v18 =	vadd.s32 v2, v27;
	[tilespmem:v15+s14+$0x0] =	vst.idx.msk $0xffff, v22  }
0x83: {  	v11 =	vadd.s32 v3, v11;
	[tilespmem:v14+s14+$0x0] =	vst.idx.msk $0xffff, v25;
	v14 =	vld [tilespmem:s17+$0xFFFFFFC0]  }
0x84: {  	v10 =	vadd.s32 v3, v10;
	v15 =	vld [tilespmem:s17+$0xFFFFFFE0];
	[tilespmem:v26+s14+$0x0] =	vst.idx.msk $0xffff, v23  }
0x85: {  	[tilespmem:v19+s14+$0x0] =	vst.idx.msk $0xffff, v17;
	v19 =	vadd.s32 v3, v24;
	v17 =	vld [tilespmem:s25+$0x0]  }
0x86: {  	v20 =	vadd.s32 v3, v20;
	v22 =	vld [tilespmem:s25+$0xFFFFFFA0];
	[tilespmem:v16+s14+$0x0] =	vst.idx.msk $0xffff, v13  }
0x87: {  	v13 =	vadd.s32 v3, v21;
	[tilespmem:v18+s14+$0x0] =	vst.idx.msk $0xffff, v12;
	v12 =	vld [tilespmem:s25+$0xFFFFFFC0]  }
0x88: {  	p1 =	por $0x1, $0x1;
	[tilespmem:v11+s14+$0x0] =	vst.idx.msk $0xffff, v14;
	v11 =	vld [tilespmem:s25+$0xFFFFFFE0];
	v14 =	vadd.s32 v3, v27  }
.Ltmp4:
0x89: {  	[tilespmem:v10+s14+$0x0] =	vst.idx.msk $0xffff, v15;
	(pc) =	sbr.rel @!p1 .LBB2_13-.Ltmp4, $4  }
0x8a: {  	s7 =	simm.s32 $0x0;
	[tilespmem:v19+s14+$0x0] =	vst.idx.msk $0xffff, v17  }
0x8b: {  	s10 =	simm.s32 $0x3;
	p2 =	por $0x0, $0x0;
	p0 =	por $0x0, $0x0;
	[tilespmem:v20+s14+$0x0] =	vst.idx.msk $0xffff, v22  }
0x8c: {  	s23 =	simm.s32 $0x2570;
	s19 =	simm.s32 $0x0;
	p3 =	por $0x0, $0x0;
	[tilespmem:v13+s14+$0x0] =	vst.idx.msk $0xffff, v12  }
0x8d: {  	s18 =	simm.s32 $0x2570;
	s17 =	simm.s32 $0x4;
	s25 =	simm.s32 $0x3;
	[tilespmem:v14+s14+$0x0] =	vst.idx.msk $0xffff, v11  }
0x8e: {  	v10 =	vmov s10  }
0x8f: {  	v10 =	vand.u32 $0x7F, v10  }
0x90: {  	v19 =	vld [tilespmem:s18+$0xFFFFFFF0];
	p3 =	por $0x1, $0x1;
	v21 =	vadd.s32 v4, v10  }
.Ltmp5:
0x91: {  	_ = 	snop;
	(pc) =	sbr.rel @!p3 .LBB2_8-.Ltmp5, $4  }
0x92: {  	v11 =	vmov s7;
	s19 =	simm.s32 $0x1;
	s23 =	simm.s32 $0x2  }
0x93: {  	v15 =	vld [tilespmem:s18+$0xFFFFFF90];
	v11 =	vand.u32 $0x7C, v11;
	v12 =	vmov s19;
	v14 =	vmov s23  }
0x94: {  	v13 =	vld [tilespmem:s18+$0xFFFFFFB0];
	v17 =	vadd.s32 v4, v11;
	v20 =	vand.u32 $0x7D, v12;
	v18 =	vand.u32 $0x7E, v14  }
0x95: {  	s25 =	simm.s32 $0x7;
	p2 =	por $0x1, $0x1;
	s19 =	simm.s32 $0x8;
	v12 =	vld [tilespmem:s18+$0xFFFFFFD0];
	v16 =	vadd.s32 v4, v20;
	v14 =	vadd.s32 v4, v18;
	[tilespmem:v21+s14+$0x0] =	vst.idx.msk $0xffff, v19  }
0x96: {  	_ =	sdelay $0x3  }
0x97: {  	v19 =	vmov s25;
	v21 =	vld [tilespmem:s18+$0x0];
	v22 =	vadd.s32 v5, v10;
	[tilespmem:v17+s14+$0x0] =	vst.idx.msk $0xffff, v15  }
0x98: {  	v23 =	vadd.s32 v5, v11;
	s23 =	simm.s32 $0x25F0;
	v11 =	vmov s17;
	s24 =	simm.s32 $0x5;
	v10 =	vand.u32 $0x7F, v19;
	v19 =	vld [tilespmem:s18+$0xFFFFFFA0]  }
0x99: {  	s26 =	simm.s32 $0x6;
	p4 =	por $0x1, $0x1;
	v26 =	vld [tilespmem:s23+$0xFFFFFFF0];
	v11 =	vand.u32 $0x7C, v11;
	v27 =	vadd.s32 v4, v10;
	[tilespmem:v16+s14+$0x0] =	vst.idx.msk $0xffff, v13;
	v16 =	vmov s24  }
.Ltmp6:
0x9a: {  	v15 =	vld [tilespmem:s23+$0xFFFFFF90];
	v17 =	vadd.s32 v4, v11;
	[tilespmem:v14+s14+$0x0] =	vst.idx.msk $0xffff, v12;
	v12 =	vmov s26;
	v25 =	vand.u32 $0x7D, v16;
	(pc) =	sbr.rel @!p4 .LBB2_10-.Ltmp6, $4  }
0x9b: {  	v13 =	vld [tilespmem:s23+$0xFFFFFFB0];
	v24 =	vand.u32 $0x7E, v12;
	v16 =	vadd.s32 v4, v25  }
0x9c: {  	v12 =	vld [tilespmem:s23+$0xFFFFFFD0];
	[tilespmem:v22+s14+$0x0] =	vst.idx.msk $0xffff, v21;
	v14 =	vadd.s32 v4, v24  }
0x9d: {  	s25 =	simm.s32 $0xB;
	v21 =	vadd.s32 v5, v20;
	[tilespmem:v23+s14+$0x0] =	vst.idx.msk $0xffff, v19;
	v19 =	vld [tilespmem:s18+$0xFFFFFFC0]  }
0x9e: {  	p3 =	por $0x1, $0x1;
	s24 =	simm.s32 $0x25F0;
	s26 =	simm.s32 $0xC;
	v22 =	vld [tilespmem:s18+$0xFFFFFFE0];
	[tilespmem:v27+s14+$0x0] =	vst.idx.msk $0xffff, v26;
	v23 =	vadd.s32 v5, v18  }
.LBB2_11:
0x9f: {  	p4 =	slt.u32 s26, $0x7C;
	v18 =	vmov s25;
	[tilespmem:v17+s14+$0x0] =	vst.idx.msk $0xffff, v15;
	v20 =	vld [tilespmem:s23+$0x0];
	v26 =	vadd.s32 v5, v10  }
0xa0: {  	v15 =	vmov s19;
	s25 =	sadd.s32 $0x1, s19;
	v27 =	vadd.s32 v5, v11;
	s23 =	sadd.s32 $0x80, s23;
	v10 =	vand.u32 $0x7F, v18;
	v18 =	vld [tilespmem:s24+$0xFFFFFFA0];
	[tilespmem:v16+s14+$0x0] =	vst.idx.msk $0xffff, v13  }
0xa1: {  	v11 =	vand.u32 $0x7C, v15;
	v13 =	vmov s25;
	s25 =	sadd.s32 $0x2, s19;
	s19 =	smov.u32 s26;
	v28 =	vld [tilespmem:s23+$0xFFFFFFF0];
	v29 =	vadd.s32 v4, v10;
	[tilespmem:v14+s14+$0x0] =	vst.idx.msk $0xffff, v12  }
.Ltmp7:
0xa2: {  	v17 =	vadd.s32 v4, v11;
	v30 =	vand.u32 $0x7D, v13;
	v12 =	vmov s25;
	v15 =	vld [tilespmem:s23+$0xFFFFFF90];
	[tilespmem:v21+s14+$0x0] =	vst.idx.msk $0xffff, v19;
	(pc) =	sbr.rel @p4 .LBB2_11-.Ltmp7, $4  }
0xa3: {  	v16 =	vadd.s32 v4, v30;
	v31 =	vand.u32 $0x7E, v12;
	v13 =	vld [tilespmem:s23+$0xFFFFFFB0];
	[tilespmem:v23+s14+$0x0] =	vst.idx.msk $0xffff, v22  }
0xa4: {  	v14 =	vadd.s32 v4, v31;
	v12 =	vld [tilespmem:s23+$0xFFFFFFD0];
	[tilespmem:v26+s14+$0x0] =	vst.idx.msk $0xffff, v20  }
0xa5: {  	v21 =	vadd.s32 v5, v25;
	v25 =	vmov v30;
	[tilespmem:v27+s14+$0x0] =	vst.idx.msk $0xffff, v18;
	v19 =	vld [tilespmem:s24+$0xFFFFFFC0]  }
0xa6: {  	s26 =	sadd.s32 $0x4, s26;
	s25 =	sadd.s32 $0x3, s19;
	v23 =	vadd.s32 v5, v24;
	v24 =	vmov v31;
	[tilespmem:v29+s14+$0x0] =	vst.idx.msk $0xffff, v28;
	v22 =	vld [tilespmem:s24+$0xFFFFFFE0];
	s24 =	smov.u32 s23  }
0xa7: {  	v20 =	vmov v25;
	v18 =	vmov v24  }
.LBB2_13:
0xa8: {  	_ =	sdelay $0x3  }
0xa9: {  	[tilespmem:v17+s14+$0x0] =	vst.idx.msk @p2 $0xffff, v15;
	v15 =	vld @p2 [tilespmem:s23+$0x0];
	s23 =	sadd.s32 @p2 $0x80, s23  }
0xaa: {  	v48 =	vmov s25;
	v10 =	vadd.s32 @p2 v5, v10;
	v24 =	vld @p2 [tilespmem:s24+$0xFFFFFFA0];
	s18 =	smov.u32 @p2 s23  }
0xab: {  	v25 =	vmov s19;
	s25 =	sadd.s32 $0x1, s19;
	v11 =	vadd.s32 @p2 v5, v11;
	[tilespmem:v16+s14+$0x0] =	vst.idx.msk @p2 $0xffff, v13;
	v17 =	vand.u32 $0x7F, v48;
	v49 =	vld [tilespmem:s18+$0xFFFFFFF0]  }
0xac: {  	s26 =	sadd.s32 $0x2, s19;
	v50 =	vand.u32 $0x7C, v25;
	v51 =	vmov s25;
	[tilespmem:v14+s14+$0x0] =	vst.idx.msk @p2 $0xffff, v12;
	v26 =	vadd.s32 v4, v17;
	v52 =	vld [tilespmem:s18+$0xFFFFFF90]  }
0xad: {  	v27 =	vmov s26;
	v53 =	vadd.s32 v4, v50;
	v25 =	vand.u32 $0x7D, v51;
	[tilespmem:v21+s14+$0x0] =	vst.idx.msk @p3 $0xffff, v19;
	v54 =	vld [tilespmem:s18+$0xFFFFFFB0]  }
0xae: {  	v27 =	vand.u32 $0x7E, v27;
	v56 =	vld [tilespmem:s18+$0xFFFFFFD0];
	v55 =	vadd.s32 v4, v25;
	[tilespmem:v23+s14+$0x0] =	vst.idx.msk @p3 $0xffff, v22  }
0xaf: {  	v57 =	vadd.s32 v4, v27;
	[tilespmem:v10+s14+$0x0] =	vst.idx.msk @p2 $0xffff, v15;
	v10 =	vld @p2 [tilespmem:s24+$0xFFFFFFC0];
	v15 =	vadd.s32 @p2 v5, v20  }
0xb0: {  	v18 =	vadd.s32 @p2 v5, v18;
	[tilespmem:v11+s14+$0x0] =	vst.idx.msk @p2 $0xffff, v24;
	v11 =	vld @p2 [tilespmem:s24+$0xFFFFFFE0];
	v15 =	vpsel p2, v15, v0  }
0xb1: {  	v13 =	vpsel p2, v18, v0;
	[tilespmem:v26+s14+$0x0] =	vst.idx.msk $0xffff, v49  }
0xb2: {  	v59 =	vadd.s32 v5, v17;
	[tilespmem:v53+s14+$0x0] =	vst.idx.msk $0xffff, v52;
	v58 =	vld [tilespmem:s18+$0x0]  }
0xb3: {  	v16 =	vadd.s32 v5, v50;
	v60 =	vld [tilespmem:s18+$0xFFFFFFA0];
	[tilespmem:v55+s14+$0x0] =	vst.idx.msk $0xffff, v54  }
0xb4: {  	v62 =	vadd.s32 v5, v25;
	[tilespmem:v57+s14+$0x0] =	vst.idx.msk $0xffff, v56;
	v61 =	vld [tilespmem:s18+$0xFFFFFFC0];
	v10 =	vpsel p2, v10, v0  }
0xb5: {  	v63 =	vadd.s32 v5, v27;
	v11 =	vpsel p2, v11, v0;
	[tilespmem:v15+s14+$0x0] =	vst.idx.msk @p2 $0xffff, v10;
	v10 =	vld [tilespmem:s18+$0xFFFFFFE0]  }
.Ltmp8:
0xb6: {  	[tilespmem:v13+s14+$0x0] =	vst.idx.msk @p2 $0xffff, v11;
	(pc) =	sbr.rel @!p1 .LBB2_14-.Ltmp8, $4  }
0xb7: {  	[tilespmem:v59+s14+$0x0] =	vst.idx.msk $0xffff, v58  }
0xb8: {  	[tilespmem:v16+s14+$0x0] =	vst.idx.msk $0xffff, v60  }
0xb9: {  	[tilespmem:v62+s14+$0x0] =	vst.idx.msk $0xffff, v61  }
0xba: {  	s18 =	simm.s32 $0x3570;
	[tilespmem:v63+s14+$0x0] =	vst.idx.msk $0xffff, v10  }
0xbb: {  	v10 =	vmov s10  }
0xbc: {  	v10 =	vand.u32 $0x7F, v10  }
0xbd: {  	v19 =	vld [tilespmem:s18+$0xFFFFFFF0];
	p2 =	por $0x1, $0x1;
	v21 =	vadd.s32 v6, v10  }
.Ltmp9:
0xbe: {  	_ = 	snop;
	(pc) =	sbr.rel @!p2 .LBB2_16-.Ltmp9, $4  }
0xbf: {  	v11 =	vmov s7;
	s25 =	simm.s32 $0x1;
	s26 =	simm.s32 $0x2  }
0xc0: {  	v15 =	vld [tilespmem:s18+$0xFFFFFF90];
	v11 =	vand.u32 $0x7C, v11;
	v12 =	vmov s25;
	v14 =	vmov s26  }
0xc1: {  	v13 =	vld [tilespmem:s18+$0xFFFFFFB0];
	v17 =	vadd.s32 v6, v11;
	v20 =	vand.u32 $0x7D, v12;
	v18 =	vand.u32 $0x7E, v14  }
0xc2: {  	s10 =	simm.s32 $0x7;
	s7 =	simm.s32 $0x8;
	p1 =	por $0x1, $0x1;
	v12 =	vld [tilespmem:s18+$0xFFFFFFD0];
	v16 =	vadd.s32 v6, v20;
	v14 =	vadd.s32 v6, v18;
	[tilespmem:v21+s14+$0x0] =	vst.idx.msk $0xffff, v19  }
0xc3: {  	_ =	sdelay $0x3  }
0xc4: {  	v19 =	vmov s10;
	v21 =	vld [tilespmem:s18+$0x0];
	v22 =	vadd.s32 v7, v10;
	[tilespmem:v17+s14+$0x0] =	vst.idx.msk $0xffff, v15  }
0xc5: {  	v23 =	vadd.s32 v7, v11;
	s19 =	simm.s32 $0x35F0;
	v11 =	vmov s17;
	s25 =	simm.s32 $0x5;
	v10 =	vand.u32 $0x7F, v19;
	v19 =	vld [tilespmem:s18+$0xFFFFFFA0]  }
0xc6: {  	s26 =	simm.s32 $0x6;
	p2 =	por $0x1, $0x1;
	v26 =	vld [tilespmem:s19+$0xFFFFFFF0];
	v11 =	vand.u32 $0x7C, v11;
	v27 =	vadd.s32 v6, v10;
	[tilespmem:v16+s14+$0x0] =	vst.idx.msk $0xffff, v13;
	v16 =	vmov s25  }
.Ltmp10:
0xc7: {  	v15 =	vld [tilespmem:s19+$0xFFFFFF90];
	v17 =	vadd.s32 v6, v11;
	[tilespmem:v14+s14+$0x0] =	vst.idx.msk $0xffff, v12;
	v12 =	vmov s26;
	v25 =	vand.u32 $0x7D, v16;
	(pc) =	sbr.rel @!p2 .LBB2_18-.Ltmp10, $4  }
0xc8: {  	v13 =	vld [tilespmem:s19+$0xFFFFFFB0];
	v24 =	vand.u32 $0x7E, v12;
	v16 =	vadd.s32 v6, v25  }
0xc9: {  	v12 =	vld [tilespmem:s19+$0xFFFFFFD0];
	[tilespmem:v22+s14+$0x0] =	vst.idx.msk $0xffff, v21;
	v14 =	vadd.s32 v6, v24  }
0xca: {  	s10 =	simm.s32 $0xB;
	v21 =	vadd.s32 v7, v20;
	[tilespmem:v23+s14+$0x0] =	vst.idx.msk $0xffff, v19;
	v19 =	vld [tilespmem:s18+$0xFFFFFFC0]  }
0xcb: {  	s23 =	simm.s32 $0xC;
	p0 =	por $0x1, $0x1;
	s17 =	simm.s32 $0x35F0;
	v22 =	vld [tilespmem:s18+$0xFFFFFFE0];
	[tilespmem:v27+s14+$0x0] =	vst.idx.msk $0xffff, v26;
	v23 =	vadd.s32 v7, v18  }
.LBB2_19:
0xcc: {  	p2 =	slt.u32 s23, $0x7C;
	v18 =	vmov s10;
	[tilespmem:v17+s14+$0x0] =	vst.idx.msk $0xffff, v15;
	v20 =	vld [tilespmem:s19+$0x0];
	v26 =	vadd.s32 v7, v10  }
0xcd: {  	v15 =	vmov s7;
	s10 =	sadd.s32 $0x1, s7;
	v27 =	vadd.s32 v7, v11;
	s19 =	sadd.s32 $0x80, s19;
	v10 =	vand.u32 $0x7F, v18;
	v18 =	vld [tilespmem:s17+$0xFFFFFFA0];
	[tilespmem:v16+s14+$0x0] =	vst.idx.msk $0xffff, v13  }
0xce: {  	v11 =	vand.u32 $0x7C, v15;
	v13 =	vmov s10;
	s10 =	sadd.s32 $0x2, s7;
	s7 =	smov.u32 s23;
	v28 =	vld [tilespmem:s19+$0xFFFFFFF0];
	v29 =	vadd.s32 v6, v10;
	[tilespmem:v14+s14+$0x0] =	vst.idx.msk $0xffff, v12  }
.Ltmp11:
0xcf: {  	v17 =	vadd.s32 v6, v11;
	v30 =	vand.u32 $0x7D, v13;
	v12 =	vmov s10;
	v15 =	vld [tilespmem:s19+$0xFFFFFF90];
	[tilespmem:v21+s14+$0x0] =	vst.idx.msk $0xffff, v19;
	(pc) =	sbr.rel @p2 .LBB2_19-.Ltmp11, $4  }
0xd0: {  	v16 =	vadd.s32 v6, v30;
	v31 =	vand.u32 $0x7E, v12;
	v13 =	vld [tilespmem:s19+$0xFFFFFFB0];
	[tilespmem:v23+s14+$0x0] =	vst.idx.msk $0xffff, v22  }
0xd1: {  	v14 =	vadd.s32 v6, v31;
	v12 =	vld [tilespmem:s19+$0xFFFFFFD0];
	[tilespmem:v26+s14+$0x0] =	vst.idx.msk $0xffff, v20  }
0xd2: {  	v21 =	vadd.s32 v7, v25;
	v25 =	vmov v30;
	[tilespmem:v27+s14+$0x0] =	vst.idx.msk $0xffff, v18;
	v19 =	vld [tilespmem:s17+$0xFFFFFFC0]  }
0xd3: {  	s23 =	sadd.s32 $0x4, s23;
	s10 =	sadd.s32 $0x3, s7;
	v23 =	vadd.s32 v7, v24;
	v24 =	vmov v31;
	[tilespmem:v29+s14+$0x0] =	vst.idx.msk $0xffff, v28;
	v22 =	vld [tilespmem:s17+$0xFFFFFFE0];
	s17 =	smov.u32 s19  }
0xd4: {  	v20 =	vmov v25;
	v18 =	vmov v24  }
.LBB2_21:
0xd5: {  	_ =	sdelay $0x3  }
0xd6: {  	[tilespmem:v17+s14+$0x0] =	vst.idx.msk @p1 $0xffff, v15;
	v15 =	vld @p1 [tilespmem:s19+$0x0];
	s19 =	sadd.s32 @p1 $0x80, s19  }
0xd7: {  	v48 =	vmov s10;
	v10 =	vadd.s32 @p1 v7, v10;
	v24 =	vld @p1 [tilespmem:s17+$0xFFFFFFA0];
	s18 =	smov.u32 @p1 s19  }
0xd8: {  	v25 =	vmov s7;
	s25 =	sadd.s32 $0x1, s7;
	v11 =	vadd.s32 @p1 v7, v11;
	[tilespmem:v16+s14+$0x0] =	vst.idx.msk @p1 $0xffff, v13;
	v17 =	vand.u32 $0x7F, v48;
	v49 =	vld [tilespmem:s18+$0xFFFFFFF0]  }
0xd9: {  	s26 =	sadd.s32 $0x2, s7;
	v50 =	vand.u32 $0x7C, v25;
	v51 =	vmov s25;
	[tilespmem:v14+s14+$0x0] =	vst.idx.msk @p1 $0xffff, v12;
	v26 =	vadd.s32 v6, v17;
	v52 =	vld [tilespmem:s18+$0xFFFFFF90]  }
0xda: {  	v27 =	vmov s26;
	v53 =	vadd.s32 v6, v50;
	v25 =	vand.u32 $0x7D, v51;
	[tilespmem:v21+s14+$0x0] =	vst.idx.msk @p0 $0xffff, v19;
	v54 =	vld [tilespmem:s18+$0xFFFFFFB0]  }
0xdb: {  	v27 =	vand.u32 $0x7E, v27;
	v56 =	vld [tilespmem:s18+$0xFFFFFFD0];
	v55 =	vadd.s32 v6, v25;
	[tilespmem:v23+s14+$0x0] =	vst.idx.msk @p0 $0xffff, v22  }
0xdc: {  	v57 =	vadd.s32 v6, v27;
	[tilespmem:v10+s14+$0x0] =	vst.idx.msk @p1 $0xffff, v15;
	v10 =	vld @p1 [tilespmem:s17+$0xFFFFFFC0];
	v15 =	vadd.s32 @p1 v7, v20  }
0xdd: {  	v18 =	vadd.s32 @p1 v7, v18;
	[tilespmem:v11+s14+$0x0] =	vst.idx.msk @p1 $0xffff, v24;
	v11 =	vld @p1 [tilespmem:s17+$0xFFFFFFE0];
	v15 =	vpsel p1, v15, v0  }
0xde: {  	v13 =	vpsel p1, v18, v0;
	[tilespmem:v26+s14+$0x0] =	vst.idx.msk $0xffff, v49  }
0xdf: {  	v59 =	vadd.s32 v7, v17;
	[tilespmem:v53+s14+$0x0] =	vst.idx.msk $0xffff, v52;
	v58 =	vld [tilespmem:s18+$0x0]  }
0xe0: {  	v16 =	vadd.s32 v7, v50;
	v60 =	vld [tilespmem:s18+$0xFFFFFFA0];
	[tilespmem:v55+s14+$0x0] =	vst.idx.msk $0xffff, v54  }
0xe1: {  	v62 =	vadd.s32 v7, v25;
	[tilespmem:v57+s14+$0x0] =	vst.idx.msk $0xffff, v56;
	v61 =	vld [tilespmem:s18+$0xFFFFFFC0];
	v10 =	vpsel p1, v10, v0  }
0xe2: {  	p2 =	por $0x1, $0x1;
	v63 =	vadd.s32 v7, v27;
	v11 =	vpsel p1, v11, v0;
	[tilespmem:v15+s14+$0x0] =	vst.idx.msk @p1 $0xffff, v10;
	v10 =	vld [tilespmem:s18+$0xFFFFFFE0]  }
.Ltmp12:
0xe3: {  	[tilespmem:v13+s14+$0x0] =	vst.idx.msk @p1 $0xffff, v11;
	(pc) =	sbr.rel @!p2 .LBB2_22-.Ltmp12, $4  }
0xe4: {  	[tilespmem:v59+s14+$0x0] =	vst.idx.msk $0xffff, v58  }
0xe5: {  	[tilespmem:v16+s14+$0x0] =	vst.idx.msk $0xffff, v60  }
0xe6: {  	s10 =	simm.s32 $0x0;
	s7 =	simm.s32 $0x4500;
	s19 =	simm.s32 $0x3;
	[tilespmem:v62+s14+$0x0] =	vst.idx.msk $0xffff, v61  }
0xe7: {  	p0 =	por $0x0, $0x0;
	s18 =	simm.s32 $0x4;
	p1 =	por $0x0, $0x0;
	[tilespmem:v63+s14+$0x0] =	vst.idx.msk $0xffff, v10  }
0xe8: {  	v10 =	vmov s19  }
0xe9: {  	v10 =	vand.u32 $0x7F, v10  }
0xea: {  	v19 =	vld [tilespmem:s7+$0x60];
	p2 =	por $0x1, $0x1;
	v21 =	vadd.s32 v8, v10  }
.Ltmp13:
0xeb: {  	_ = 	snop;
	(pc) =	sbr.rel @!p2 .LBB2_24-.Ltmp13, $4  }
0xec: {  	v11 =	vmov s10;
	s26 =	simm.s32 $0x1;
	s17 =	simm.s32 $0x2  }
0xed: {  	v15 =	vld [tilespmem:s7+$0x0];
	v11 =	vand.u32 $0x7C, v11;
	v12 =	vmov s26;
	v14 =	vmov s17  }
0xee: {  	v13 =	vld [tilespmem:s7+$0x20];
	v17 =	vadd.s32 v8, v11;
	v20 =	vand.u32 $0x7D, v12;
	v18 =	vand.u32 $0x7E, v14  }
0xef: {  	s19 =	simm.s32 $0x7;
	s10 =	simm.s32 $0x8;
	p0 =	por $0x1, $0x1;
	v12 =	vld [tilespmem:s7+$0x40];
	v16 =	vadd.s32 v8, v20;
	v14 =	vadd.s32 v8, v18;
	[tilespmem:v21+s14+$0x0] =	vst.idx.msk $0xffff, v19  }
0xf0: {  	_ =	sdelay $0x3  }
0xf1: {  	v19 =	vmov s19;
	v21 =	vld [tilespmem:s7+$0x70];
	v22 =	vadd.s32 v9, v10;
	[tilespmem:v17+s14+$0x0] =	vst.idx.msk $0xffff, v15  }
0xf2: {  	v23 =	vadd.s32 v9, v11;
	s17 =	simm.s32 $0x4580;
	v11 =	vmov s18;
	s25 =	simm.s32 $0x5;
	v10 =	vand.u32 $0x7F, v19;
	v19 =	vld [tilespmem:s7+$0x10]  }
0xf3: {  	s26 =	simm.s32 $0x6;
	p2 =	por $0x1, $0x1;
	v26 =	vld [tilespmem:s17+$0x60];
	v11 =	vand.u32 $0x7C, v11;
	v27 =	vadd.s32 v8, v10;
	[tilespmem:v16+s14+$0x0] =	vst.idx.msk $0xffff, v13;
	v16 =	vmov s25  }
.Ltmp14:
0xf4: {  	v15 =	vld [tilespmem:s17+$0x0];
	v17 =	vadd.s32 v8, v11;
	[tilespmem:v14+s14+$0x0] =	vst.idx.msk $0xffff, v12;
	v12 =	vmov s26;
	v25 =	vand.u32 $0x7D, v16;
	(pc) =	sbr.rel @!p2 .LBB2_26-.Ltmp14, $4  }
0xf5: {  	v13 =	vld [tilespmem:s17+$0x20];
	v24 =	vand.u32 $0x7E, v12;
	v16 =	vadd.s32 v8, v25  }
0xf6: {  	v12 =	vld [tilespmem:s17+$0x40];
	[tilespmem:v22+s14+$0x0] =	vst.idx.msk $0xffff, v21;
	v14 =	vadd.s32 v8, v24  }
0xf7: {  	s19 =	simm.s32 $0xB;
	v21 =	vadd.s32 v9, v20;
	[tilespmem:v23+s14+$0x0] =	vst.idx.msk $0xffff, v19;
	v19 =	vld [tilespmem:s7+$0x30]  }
0xf8: {  	s23 =	simm.s32 $0xC;
	p1 =	por $0x1, $0x1;
	s18 =	simm.s32 $0x4580;
	v22 =	vld [tilespmem:s7+$0x50];
	[tilespmem:v27+s14+$0x0] =	vst.idx.msk $0xffff, v26;
	v23 =	vadd.s32 v9, v18  }
.LBB2_27:
0xf9: {  	p2 =	slt.u32 s23, $0x7C;
	v18 =	vmov s19;
	[tilespmem:v17+s14+$0x0] =	vst.idx.msk $0xffff, v15;
	v20 =	vld [tilespmem:s17+$0x70];
	v26 =	vadd.s32 v9, v10  }
0xfa: {  	v15 =	vmov s10;
	s19 =	sadd.s32 $0x1, s10;
	v27 =	vadd.s32 v9, v11;
	s17 =	sadd.s32 $0x80, s17;
	v10 =	vand.u32 $0x7F, v18;
	v18 =	vld [tilespmem:s18+$0x10];
	[tilespmem:v16+s14+$0x0] =	vst.idx.msk $0xffff, v13  }
0xfb: {  	v11 =	vand.u32 $0x7C, v15;
	v13 =	vmov s19;
	s19 =	sadd.s32 $0x2, s10;
	s10 =	smov.u32 s23;
	v28 =	vld [tilespmem:s17+$0x60];
	v29 =	vadd.s32 v8, v10;
	[tilespmem:v14+s14+$0x0] =	vst.idx.msk $0xffff, v12  }
.Ltmp15:
0xfc: {  	v17 =	vadd.s32 v8, v11;
	v30 =	vand.u32 $0x7D, v13;
	v12 =	vmov s19;
	v15 =	vld [tilespmem:s17+$0x0];
	[tilespmem:v21+s14+$0x0] =	vst.idx.msk $0xffff, v19;
	(pc) =	sbr.rel @p2 .LBB2_27-.Ltmp15, $4  }
0xfd: {  	v16 =	vadd.s32 v8, v30;
	v31 =	vand.u32 $0x7E, v12;
	v13 =	vld [tilespmem:s17+$0x20];
	[tilespmem:v23+s14+$0x0] =	vst.idx.msk $0xffff, v22  }
0xfe: {  	v14 =	vadd.s32 v8, v31;
	v12 =	vld [tilespmem:s17+$0x40];
	[tilespmem:v26+s14+$0x0] =	vst.idx.msk $0xffff, v20  }
0xff: {  	v21 =	vadd.s32 v9, v25;
	v25 =	vmov v30;
	[tilespmem:v27+s14+$0x0] =	vst.idx.msk $0xffff, v18;
	v19 =	vld [tilespmem:s18+$0x30]  }
0x100: {  	s23 =	sadd.s32 $0x4, s23;
	s19 =	sadd.s32 $0x3, s10;
	v23 =	vadd.s32 v9, v24;
	v24 =	vmov v31;
	[tilespmem:v29+s14+$0x0] =	vst.idx.msk $0xffff, v28;
	v22 =	vld [tilespmem:s18+$0x50];
	s18 =	smov.u32 s17  }
0x101: {  	v20 =	vmov v25;
	v18 =	vmov v24  }
.LBB2_29:
0x102: {  	_ =	sdelay $0x3  }
0x103: {  	[tilespmem:v17+s14+$0x0] =	vst.idx.msk @p0 $0xffff, v15;
	v15 =	vld @p0 [tilespmem:s17+$0x70];
	s17 =	sadd.s32 @p0 $0x80, s17  }
0x104: {  	v48 =	vmov s19;
	v10 =	vadd.s32 @p0 v9, v10;
	v24 =	vld @p0 [tilespmem:s18+$0x10];
	s7 =	smov.u32 @p0 s17  }
0x105: {  	v25 =	vmov s10;
	s25 =	sadd.s32 $0x1, s10;
	v11 =	vadd.s32 @p0 v9, v11;
	[tilespmem:v16+s14+$0x0] =	vst.idx.msk @p0 $0xffff, v13;
	v17 =	vand.u32 $0x7F, v48;
	v49 =	vld [tilespmem:s7+$0x60]  }
0x106: {  	s26 =	sadd.s32 $0x2, s10;
	v50 =	vand.u32 $0x7C, v25;
	v51 =	vmov s25;
	[tilespmem:v14+s14+$0x0] =	vst.idx.msk @p0 $0xffff, v12;
	v26 =	vadd.s32 v8, v17;
	v52 =	vld [tilespmem:s7+$0x0]  }
0x107: {  	v27 =	vmov s26;
	v53 =	vadd.s32 v8, v50;
	v25 =	vand.u32 $0x7D, v51;
	[tilespmem:v21+s14+$0x0] =	vst.idx.msk @p1 $0xffff, v19;
	v54 =	vld [tilespmem:s7+$0x20]  }
0x108: {  	v27 =	vand.u32 $0x7E, v27;
	v56 =	vld [tilespmem:s7+$0x40];
	v55 =	vadd.s32 v8, v25;
	[tilespmem:v23+s14+$0x0] =	vst.idx.msk @p1 $0xffff, v22  }
0x109: {  	v57 =	vadd.s32 v8, v27;
	[tilespmem:v10+s14+$0x0] =	vst.idx.msk @p0 $0xffff, v15;
	v10 =	vld @p0 [tilespmem:s18+$0x30];
	v15 =	vadd.s32 @p0 v9, v20  }
0x10a: {  	v18 =	vadd.s32 @p0 v9, v18;
	[tilespmem:v11+s14+$0x0] =	vst.idx.msk @p0 $0xffff, v24;
	v11 =	vld @p0 [tilespmem:s18+$0x50];
	v15 =	vpsel p0, v15, v0  }
0x10b: {  	v13 =	vpsel p0, v18, v0;
	[tilespmem:v26+s14+$0x0] =	vst.idx.msk $0xffff, v49  }
0x10c: {  	v59 =	vadd.s32 v9, v17;
	[tilespmem:v53+s14+$0x0] =	vst.idx.msk $0xffff, v52;
	v58 =	vld [tilespmem:s7+$0x70]  }
0x10d: {  	v16 =	vadd.s32 v9, v50;
	v60 =	vld [tilespmem:s7+$0x10];
	[tilespmem:v55+s14+$0x0] =	vst.idx.msk $0xffff, v54  }
0x10e: {  	v62 =	vadd.s32 v9, v25;
	[tilespmem:v57+s14+$0x0] =	vst.idx.msk $0xffff, v56;
	v61 =	vld [tilespmem:s7+$0x30];
	v10 =	vpsel p0, v10, v0  }
0x10f: {  	v63 =	vadd.s32 v9, v27;
	v11 =	vpsel p0, v11, v0;
	[tilespmem:v15+s14+$0x0] =	vst.idx.msk @p0 $0xffff, v10;
	v10 =	vld [tilespmem:s7+$0x50]  }
0x110: {  	s10 =	smul.u32 $0x140000, s20;
	[tilespmem:v13+s14+$0x0] =	vst.idx.msk @p0 $0xffff, v11  }
0x111: {  	[tilespmem:v59+s14+$0x0] =	vst.idx.msk $0xffff, v58  }
0x112: {  	s7 =	sor.u32 s9, s10;
	[tilespmem:v16+s14+$0x0] =	vst.idx.msk $0xffff, v60  }
0x113: {  	s7 =	sshrl.u32 s7, $0x3;
	[tilespmem:v62+s14+$0x0] =	vst.idx.msk $0xffff, v61  }
0x114: {  	s17 =	simm.s32 $0xA500;
	s10 =	sadd.s32 s1, s7;
	[tilespmem:v63+s14+$0x0] =	vst.idx.msk $0xffff, v10  }
0x115: {  	[hbm4b:s10+s3] =	stream.linear.scatter [tilespmem:s17], [sflag:$0x3], $0x80, $0x38;
	[tilespmem:$0x14F00] =	vst v63  }
0x116: {  	s18 =	simm.s32 $0xA588;
	s19 =	sadd.s32 $0x10, s10  }
0x117: {  	[hbm4b:s19+s3] =	stream.linear.scatter [tilespmem:s18], [sflag:$0x3], $0x80, $0x38;
	[tilespmem:$0x14F00] =	vst v63  }
0x118: {  	s23 =	simm.s32 $0xA610;
	s25 =	simm.s32 $0xA698;
	s24 =	sadd.s32 $0x20, s10  }
0x119: {  	[hbm4b:s24+s3] =	stream.linear.scatter [tilespmem:s23], [sflag:$0x3], $0x80, $0x38;
	[tilespmem:$0x14F00] =	vst v63  }
0x11a: {  	s7 =	simm.s32 $0x440;
	s26 =	sadd.s32 $0x30, s10;
	s17 =	simm.s32 $0x2200  }
0x11b: {  	[hbm4b:s26+s3] =	stream.linear.scatter [tilespmem:s25], [sflag:$0x3], $0x80, $0x38;
	[tilespmem:$0x14F00] =	vst v63  }
0x11c: {  	s18 =	simm.s32 $0xA720;
	s19 =	sadd.s32 $0x40, s10;
	s23 =	simm.s32 $0xA7A8  }
0x11d: {  	[hbm4b:s19+s3] =	stream.linear.scatter [tilespmem:s18], [sflag:$0x3], $0x80, $0x38;
	[tilespmem:$0x14F00] =	vst v63  }
0x11e: {  	s24 =	sadd.s32 $0x50, s10;
	s25 =	simm.s32 $0xA830;
	s26 =	sadd.s32 $0x60, s10  }
0x11f: {  	[hbm4b:s24+s3] =	stream.linear.scatter [tilespmem:s23], [sflag:$0x3], $0x80, $0x38;
	[tilespmem:$0x14F00] =	vst v63  }
0x120: {  	s18 =	simm.s32 $0xA8B8;
	s19 =	sadd.s32 $0x70, s10;
	s10 =	sadd.s32 $0x1000, s10  }
0x121: {  	[hbm4b:s26+s3] =	stream.linear.scatter [tilespmem:s25], [sflag:$0x3], $0x80, $0x38;
	[tilespmem:$0x14F00] =	vst v63  }
.LBB2_30:
0x122: {  	[hbm4b:s19+s3] =	stream.linear.scatter [tilespmem:s18], [sflag:$0x3], $0x80, $0x38;
	[tilespmem:$0x14F00] =	vst v63  }
0x123: {  	s18 =	smov.u32 s7;
	s7 =	smov.u32 s17  }
0x124: {  	s23 =	sadd.s32 $0x1100, s17;
	s7 =	sshra.s32 s7, $0x2;
	s19 =	sadd.s32 $0xA500, s18  }
0x125: {  	[hbm4b:s10+s3] =	stream.linear.scatter [tilespmem:s19], [sflag:$0x3], $0x80, $0x38;
	[tilespmem:$0x14F00] =	vst v63  }
0x126: {  	p0 =	sne.s32 s17, $0x14300;
	s17 =	sadd.s32 $0xA588, s18;
	s19 =	sadd.s32 $0x10, s10  }
0x127: {  	[hbm4b:s19+s3] =	stream.linear.scatter [tilespmem:s17], [sflag:$0x3], $0x80, $0x38;
	[tilespmem:$0x14F00] =	vst v63  }
0x128: {  	s17 =	sadd.s32 $0xA610, s18;
	s19 =	sadd.s32 $0x20, s10  }
0x129: {  	[hbm4b:s19+s3] =	stream.linear.scatter [tilespmem:s17], [sflag:$0x3], $0x80, $0x38;
	[tilespmem:$0x14F00] =	vst v63  }
0x12a: {  	s17 =	sadd.s32 $0xA698, s18;
	s19 =	sadd.s32 $0x30, s10  }
0x12b: {  	[hbm4b:s19+s3] =	stream.linear.scatter [tilespmem:s17], [sflag:$0x3], $0x80, $0x38;
	[tilespmem:$0x14F00] =	vst v63  }
0x12c: {  	s17 =	sadd.s32 $0xA720, s18;
	s19 =	sadd.s32 $0x40, s10  }
0x12d: {  	[hbm4b:s19+s3] =	stream.linear.scatter [tilespmem:s17], [sflag:$0x3], $0x80, $0x38;
	[tilespmem:$0x14F00] =	vst v63  }
.Ltmp16:
0x12e: {  	s17 =	sadd.s32 $0xA7A8, s18;
	s19 =	sadd.s32 $0x50, s10;
	(pc) =	sbr.rel @p0 .LBB2_30-.Ltmp16, $4  }
0x12f: {  	[hbm4b:s19+s3] =	stream.linear.scatter [tilespmem:s17], [sflag:$0x3], $0x80, $0x38;
	[tilespmem:$0x14F00] =	vst v63  }
0x130: {  	s17 =	sadd.s32 $0xA830, s18;
	s19 =	sadd.s32 $0x60, s10;
	s18 =	sadd.s32 $0xA8B8, s18  }
0x131: {  	[hbm4b:s19+s3] =	stream.linear.scatter [tilespmem:s17], [sflag:$0x3], $0x80, $0x38;
	[tilespmem:$0x14F00] =	vst v63  }
0x132: {  	s19 =	sadd.s32 $0x70, s10;
	s10 =	sadd.s32 $0x1000, s10;
	s17 =	smov.u32 s23  }
0x133: {  	[hbm4b:s19+s3] =	stream.linear.scatter [tilespmem:s18], [sflag:$0x3], $0x80, $0x38;
	[tilespmem:$0x14F00] =	vst v63  }
0x134: {  	s17 =	sadd.s32 $0xA500, s7  }
0x135: {  	[hbm4b:s10+s3] =	stream.linear.scatter [tilespmem:s17], [sflag:$0x3], $0x80, $0x38;
	[tilespmem:$0x14F00] =	vst v63  }
0x136: {  	s23 =	sadd.s32 $0xA588, s7;
	s24 =	sadd.s32 $0x10, s10  }
0x137: {  	[hbm4b:s24+s3] =	stream.linear.scatter [tilespmem:s23], [sflag:$0x3], $0x80, $0x38;
	[tilespmem:$0x14F00] =	vst v63  }
0x138: {  	s25 =	sadd.s32 $0xA610, s7;
	s26 =	sadd.s32 $0x20, s10  }
0x139: {  	[hbm4b:s26+s3] =	stream.linear.scatter [tilespmem:s25], [sflag:$0x3], $0x80, $0x38;
	[tilespmem:$0x14F00] =	vst v63  }
0x13a: {  	s18 =	sadd.s32 $0xA698, s7;
	s19 =	sadd.s32 $0x30, s10  }
0x13b: {  	[hbm4b:s19+s3] =	stream.linear.scatter [tilespmem:s18], [sflag:$0x3], $0x80, $0x38;
	[tilespmem:$0x14F00] =	vst v63  }
0x13c: {  	s23 =	sadd.s32 $0xA720, s7;
	s24 =	sadd.s32 $0x40, s10  }
0x13d: {  	[hbm4b:s24+s3] =	stream.linear.scatter [tilespmem:s23], [sflag:$0x3], $0x80, $0x38;
	[tilespmem:$0x14F00] =	vst v63  }
0x13e: {  	s25 =	sadd.s32 $0xA7A8, s7;
	s26 =	sadd.s32 $0x50, s10  }
0x13f: {  	[hbm4b:s26+s3] =	stream.linear.scatter [tilespmem:s25], [sflag:$0x3], $0x80, $0x38;
	[tilespmem:$0x14F00] =	vst v63  }
0x140: {  	s18 =	sadd.s32 $0xA830, s7;
	s19 =	sadd.s32 $0x60, s10  }
0x141: {  	[hbm4b:s19+s3] =	stream.linear.scatter [tilespmem:s18], [sflag:$0x3], $0x80, $0x38;
	[tilespmem:$0x14F00] =	vst v63  }
0x142: {  	s23 =	sadd.s32 $0xA8B8, s7;
	s24 =	sadd.s32 $0x70, s10  }
0x143: {  	[hbm4b:s24+s3] =	stream.linear.scatter [tilespmem:s23], [sflag:$0x3], $0x80, $0x38;
	[tilespmem:$0x14F00] =	vst v63  }
0x144: {  	s25 =	simm.s32 $0x3;
	_ =	swait.ge [sflag:s15], $0x5000  }
0x145: {  	s26 =	simm.s32 $0x0;
	v10 =	vmov s25;
	[sflag:s15] =	ssyncset.done $0x0  }
0x146: {  	s17 =	simm.s32 $0x5540;
	v11 =	vmov s26;
	v15 =	vand.u32 $0x7F, v10;
	[sflag:s15] =	ssyncadd.s32 $0xFFFFB000  }
0x147: {  	v14 =	vand.u32 $0x7C, v11;
	v11 =	vadd.s32 v0, v15;
	v10 =	vld [tilespmem:s17+$0x20]  }
0x148: {  	s18 =	simm.s32 $0x1;
	v18 =	vadd.s32 v0, v14;
	v17 =	vld [tilespmem:s17+$0xFFFFFFC0]  }
0x149: {  	s19 =	simm.s32 $0x2;
	v12 =	vmov s18  }
0x14a: {  	v13 =	vand.u32 $0x7D, v12;
	v12 =	vmov s19  }
0x14b: {  	v20 =	vadd.s32 v0, v13;
	v12 =	vand.u32 $0x7E, v12;
	v19 =	vld [tilespmem:s17+$0xFFFFFFE0]  }
0x14c: {  	s23 =	simm.s32 $0x7;
	v23 =	vadd.s32 v0, v12;
	v22 =	vld [tilespmem:s17+$0x0];
	[tilespmem:v11+s16+$0x0] =	vst.idx.msk $0xffff, v10  }
0x14d: {  	v25 =	vadd.s32 v1, v15;
	s24 =	simm.s32 $0x4;
	v16 =	vmov s23;
	[tilespmem:v18+s16+$0x0] =	vst.idx.msk $0xffff, v17;
	v24 =	vld [tilespmem:s17+$0x30]  }
0x14e: {  	s10 =	simm.s32 $0x55C0;
	s25 =	simm.s32 $0x5;
	v32 =	vadd.s32 v1, v14;
	v18 =	vand.u32 $0x7F, v16;
	v17 =	vmov s24;
	v26 =	vld [tilespmem:s17+$0xFFFFFFD0]  }
0x14f: {  	s26 =	simm.s32 $0x6;
	v33 =	vld [tilespmem:s10+$0x20];
	v10 =	vmov s25;
	v34 =	vadd.s32 v0, v18;
	v21 =	vand.u32 $0x7C, v17  }
0x150: {  	v29 =	vld [tilespmem:s10+$0xFFFFFFC0];
	[tilespmem:v20+s16+$0x0] =	vst.idx.msk $0xffff, v19;
	v19 =	vmov s26;
	v11 =	vand.u32 $0x7D, v10;
	v31 =	vadd.s32 v0, v21  }
0x151: {  	v28 =	vld [tilespmem:s10+$0xFFFFFFE0];
	[tilespmem:v23+s16+$0x0] =	vst.idx.msk $0xffff, v22;
	v10 =	vand.u32 $0x7E, v19;
	v30 =	vadd.s32 v0, v11  }
0x152: {  	v23 =	vld [tilespmem:s10+$0x0];
	v27 =	vadd.s32 v0, v10;
	[tilespmem:v25+s16+$0x0] =	vst.idx.msk $0xffff, v24  }
0x153: {  	s7 =	simm.s32 $0x8;
	s18 =	simm.s32 $0x8;
	v22 =	vld [tilespmem:s17+$0xFFFFFFF0];
	[tilespmem:v32+s16+$0x0] =	vst.idx.msk $0xffff, v26;
	v24 =	vadd.s32 v1, v13  }
0x154: {  	s19 =	simm.s32 $0xC;
	s23 =	simm.s32 $0xB;
	v20 =	vmov v11;
	v19 =	vmov v10;
	[tilespmem:v34+s16+$0x0] =	vst.idx.msk $0xffff, v33;
	v25 =	vld [tilespmem:s17+$0x10];
	v26 =	vadd.s32 v1, v12;
	s17 =	simm.s32 $0x55C0  }
.LBB2_32:
0x155: {  	p0 =	slt.u32 s19, $0x7C;
	v32 =	vmov s23;
	[tilespmem:v31+s16+$0x0] =	vst.idx.msk $0xffff, v29;
	v33 =	vld [tilespmem:s10+$0x30];
	v34 =	vadd.s32 v1, v18  }
0x156: {  	v29 =	vmov s18;
	s23 =	sadd.s32 $0x1, s18;
	v35 =	vadd.s32 v1, v21;
	s10 =	sadd.s32 $0x80, s10;
	v18 =	vand.u32 $0x7F, v32;
	v32 =	vld [tilespmem:s17+$0xFFFFFFD0];
	[tilespmem:v30+s16+$0x0] =	vst.idx.msk $0xffff, v28  }
0x157: {  	v21 =	vand.u32 $0x7C, v29;
	v28 =	vmov s23;
	s23 =	sadd.s32 $0x2, s18;
	s18 =	smov.u32 s19;
	v36 =	vld [tilespmem:s10+$0x20];
	v37 =	vadd.s32 v0, v18;
	[tilespmem:v27+s16+$0x0] =	vst.idx.msk $0xffff, v23  }
.Ltmp17:
0x158: {  	v31 =	vadd.s32 v0, v21;
	v38 =	vand.u32 $0x7D, v28;
	v23 =	vmov s23;
	v29 =	vld [tilespmem:s10+$0xFFFFFFC0];
	[tilespmem:v24+s16+$0x0] =	vst.idx.msk $0xffff, v22;
	(pc) =	sbr.rel @p0 .LBB2_32-.Ltmp17, $4  }
0x159: {  	v30 =	vadd.s32 v0, v38;
	v39 =	vand.u32 $0x7E, v23;
	v28 =	vld [tilespmem:s10+$0xFFFFFFE0];
	[tilespmem:v26+s16+$0x0] =	vst.idx.msk $0xffff, v25  }
0x15a: {  	v27 =	vadd.s32 v0, v39;
	v23 =	vld [tilespmem:s10+$0x0];
	[tilespmem:v34+s16+$0x0] =	vst.idx.msk $0xffff, v33  }
0x15b: {  	v24 =	vadd.s32 v1, v20;
	v20 =	vmov v38;
	[tilespmem:v35+s16+$0x0] =	vst.idx.msk $0xffff, v32;
	v22 =	vld [tilespmem:s17+$0xFFFFFFF0]  }
0x15c: {  	s19 =	sadd.s32 $0x4, s19;
	s23 =	sadd.s32 $0x3, s18;
	v26 =	vadd.s32 v1, v19;
	v19 =	vmov v39;
	[tilespmem:v37+s16+$0x0] =	vst.idx.msk $0xffff, v36;
	v25 =	vld [tilespmem:s17+$0x10];
	s17 =	smov.u32 s10  }
0x15d: {  	_ =	sdelay $0x3  }
0x15e: {  	v32 =	vmov s23;
	[tilespmem:v31+s16+$0x0] =	vst.idx.msk $0xffff, v29;
	v49 =	vld [tilespmem:s10+$0x30];
	v18 =	vadd.s32 v1, v18  }
0x15f: {  	v50 =	vmov s18;
	s19 =	sadd.s32 $0x1, s18;
	v21 =	vadd.s32 v1, v21;
	s24 =	sadd.s32 $0x80, s10;
	v32 =	vand.u32 $0x7F, v32;
	v33 =	vld [tilespmem:s17+$0xFFFFFFD0];
	[tilespmem:v30+s16+$0x0] =	vst.idx.msk $0xffff, v28  }
0x160: {  	s25 =	sadd.s32 $0x2, s18;
	v51 =	vand.u32 $0x7C, v50;
	v52 =	vmov s19;
	v53 =	vld [tilespmem:s24+$0x20];
	v34 =	vadd.s32 v0, v32;
	[tilespmem:v27+s16+$0x0] =	vst.idx.msk $0xffff, v23  }
0x161: {  	v35 =	vmov s25;
	v23 =	vld [tilespmem:s24+$0xFFFFFFC0];
	v54 =	vadd.s32 v0, v51;
	v30 =	vand.u32 $0x7D, v52;
	[tilespmem:v24+s16+$0x0] =	vst.idx.msk $0xffff, v22  }
0x162: {  	v35 =	vand.u32 $0x7E, v35;
	v22 =	vld [tilespmem:s24+$0xFFFFFFE0];
	v55 =	vadd.s32 v0, v30;
	[tilespmem:v26+s16+$0x0] =	vst.idx.msk $0xffff, v25  }
0x163: {  	v56 =	vld [tilespmem:s24+$0x0];
	v57 =	vadd.s32 v0, v35;
	[tilespmem:v18+s16+$0x0] =	vst.idx.msk $0xffff, v49  }
0x164: {  	v20 =	vadd.s32 v1, v20;
	v18 =	vld [tilespmem:s17+$0xFFFFFFF0];
	[tilespmem:v21+s16+$0x0] =	vst.idx.msk $0xffff, v33  }
0x165: {  	v19 =	vadd.s32 v1, v19;
	v21 =	vld [tilespmem:s17+$0x10];
	[tilespmem:v34+s16+$0x0] =	vst.idx.msk $0xffff, v53  }
0x166: {  	v58 =	vadd.s32 v1, v32;
	[tilespmem:v54+s16+$0x0] =	vst.idx.msk $0xffff, v23;
	v23 =	vld [tilespmem:s24+$0x30]  }
0x167: {  	v28 =	vadd.s32 v1, v51;
	v59 =	vld [tilespmem:s24+$0xFFFFFFD0];
	[tilespmem:v55+s16+$0x0] =	vst.idx.msk $0xffff, v22  }
0x168: {  	v60 =	vadd.s32 v1, v30;
	[tilespmem:v57+s16+$0x0] =	vst.idx.msk $0xffff, v56;
	v22 =	vld [tilespmem:s24+$0xFFFFFFF0]  }
0x169: {  	[tilespmem:v20+s16+$0x0] =	vst.idx.msk $0xffff, v18;
	v18 =	vld [tilespmem:s24+$0x10];
	v20 =	vadd.s32 v1, v35  }
0x16a: {  	[tilespmem:v19+s16+$0x0] =	vst.idx.msk $0xffff, v21  }
0x16b: {  	[tilespmem:v58+s16+$0x0] =	vst.idx.msk $0xffff, v23  }
0x16c: {  	[tilespmem:v28+s16+$0x0] =	vst.idx.msk $0xffff, v59  }
0x16d: {  	[tilespmem:v60+s16+$0x0] =	vst.idx.msk $0xffff, v22  }
0x16e: {  	s26 =	simm.s32 $0x6570;
	[tilespmem:v20+s16+$0x0] =	vst.idx.msk $0xffff, v18  }
0x16f: {  	v19 =	vadd.s32 v2, v15;
	v18 =	vld [tilespmem:s26+$0xFFFFFFF0]  }
0x170: {  	v21 =	vadd.s32 v2, v14;
	v20 =	vld [tilespmem:s26+$0xFFFFFF90];
	_ =	sdelay $0x2  }
0x171: {  	v23 =	vadd.s32 v2, v13;
	v22 =	vld [tilespmem:s26+$0xFFFFFFB0]  }
0x172: {  	v61 =	vadd.s32 v2, v12;
	v24 =	vld [tilespmem:s26+$0xFFFFFFD0];
	[tilespmem:v19+s16+$0x0] =	vst.idx.msk $0xffff, v18  }
0x173: {  	[tilespmem:v21+s16+$0x0] =	vst.idx.msk $0xffff, v20;
	v19 =	vadd.s32 v3, v15;
	v18 =	vld [tilespmem:s26+$0x0]  }
0x174: {  	v62 =	vadd.s32 v3, v14;
	s10 =	simm.s32 $0x65F0;
	v15 =	vand.u32 $0x7F, v16;
	v16 =	vld [tilespmem:s26+$0xFFFFFFA0]  }
0x175: {  	v14 =	vand.u32 $0x7C, v17;
	v27 =	vld [tilespmem:s10+$0xFFFFFFF0];
	v63 =	vadd.s32 v2, v15  }
0x176: {  	[tilespmem:v23+s16+$0x0] =	vst.idx.msk $0xffff, v22;
	v22 =	vld [tilespmem:s10+$0xFFFFFF90];
	v23 =	vadd.s32 v2, v14  }
0x177: {  	[tilespmem:v61+s16+$0x0] =	vst.idx.msk $0xffff, v24;
	v20 =	vld [tilespmem:s10+$0xFFFFFFB0];
	v21 =	vadd.s32 v2, v11  }
0x178: {  	v17 =	vld [tilespmem:s10+$0xFFFFFFD0];
	[tilespmem:v19+s16+$0x0] =	vst.idx.msk $0xffff, v18;
	v19 =	vadd.s32 v2, v10  }
0x179: {  	v13 =	vadd.s32 v3, v13;
	[tilespmem:v62+s16+$0x0] =	vst.idx.msk $0xffff, v16;
	v16 =	vld [tilespmem:s26+$0xFFFFFFC0]  }
0x17a: {  	s18 =	simm.s32 $0xC;
	v12 =	vadd.s32 v3, v12;
	s19 =	simm.s32 $0xB;
	s17 =	simm.s32 $0x65F0;
	[tilespmem:v63+s16+$0x0] =	vst.idx.msk $0xffff, v27;
	v18 =	vld [tilespmem:s26+$0xFFFFFFE0]  }
.LBB2_34:
0x17b: {  	p0 =	slt.u32 s18, $0x7C;
	v24 =	vmov s19;
	[tilespmem:v23+s16+$0x0] =	vst.idx.msk $0xffff, v22;
	v25 =	vld [tilespmem:s10+$0x0];
	v26 =	vadd.s32 v3, v15  }
0x17c: {  	v22 =	vmov s7;
	s19 =	sadd.s32 $0x1, s7;
	v27 =	vadd.s32 v3, v14;
	s10 =	sadd.s32 $0x80, s10;
	v15 =	vand.u32 $0x7F, v24;
	v24 =	vld [tilespmem:s17+$0xFFFFFFA0];
	[tilespmem:v21+s16+$0x0] =	vst.idx.msk $0xffff, v20  }
0x17d: {  	v14 =	vand.u32 $0x7C, v22;
	v20 =	vmov s19;
	s19 =	sadd.s32 $0x2, s7;
	s7 =	smov.u32 s18;
	v28 =	vld [tilespmem:s10+$0xFFFFFFF0];
	v29 =	vadd.s32 v2, v15;
	[tilespmem:v19+s16+$0x0] =	vst.idx.msk $0xffff, v17  }
.Ltmp18:
0x17e: {  	v23 =	vadd.s32 v2, v14;
	v30 =	vand.u32 $0x7D, v20;
	v17 =	vmov s19;
	v22 =	vld [tilespmem:s10+$0xFFFFFF90];
	[tilespmem:v13+s16+$0x0] =	vst.idx.msk $0xffff, v16;
	(pc) =	sbr.rel @p0 .LBB2_34-.Ltmp18, $4  }
0x17f: {  	v21 =	vadd.s32 v2, v30;
	v31 =	vand.u32 $0x7E, v17;
	v20 =	vld [tilespmem:s10+$0xFFFFFFB0];
	[tilespmem:v12+s16+$0x0] =	vst.idx.msk $0xffff, v18  }
0x180: {  	v19 =	vadd.s32 v2, v31;
	v17 =	vld [tilespmem:s10+$0xFFFFFFD0];
	[tilespmem:v26+s16+$0x0] =	vst.idx.msk $0xffff, v25  }
0x181: {  	v13 =	vadd.s32 v3, v11;
	v11 =	vmov v30;
	[tilespmem:v27+s16+$0x0] =	vst.idx.msk $0xffff, v24;
	v16 =	vld [tilespmem:s17+$0xFFFFFFC0]  }
0x182: {  	s18 =	sadd.s32 $0x4, s18;
	s19 =	sadd.s32 $0x3, s7;
	v12 =	vadd.s32 v3, v10;
	v10 =	vmov v31;
	[tilespmem:v29+s16+$0x0] =	vst.idx.msk $0xffff, v28;
	v18 =	vld [tilespmem:s17+$0xFFFFFFE0];
	s17 =	smov.u32 s10  }
0x183: {  	_ =	sdelay $0x3  }
0x184: {  	v24 =	vmov s19;
	[tilespmem:v23+s16+$0x0] =	vst.idx.msk $0xffff, v22;
	v22 =	vld [tilespmem:s10+$0x0];
	v15 =	vadd.s32 v3, v15  }
0x185: {  	v23 =	vmov s7;
	s18 =	sadd.s32 $0x1, s7;
	v14 =	vadd.s32 v3, v14;
	s25 =	sadd.s32 $0x80, s10;
	v24 =	vand.u32 $0x7F, v24;
	v25 =	vld [tilespmem:s17+$0xFFFFFFA0];
	[tilespmem:v21+s16+$0x0] =	vst.idx.msk $0xffff, v20  }
0x186: {  	s26 =	sadd.s32 $0x2, s7;
	v20 =	vand.u32 $0x7C, v23;
	v21 =	vmov s18;
	v23 =	vld [tilespmem:s25+$0xFFFFFFF0];
	v26 =	vadd.s32 v2, v24;
	[tilespmem:v19+s16+$0x0] =	vst.idx.msk $0xffff, v17  }
0x187: {  	v27 =	vmov s26;
	v17 =	vld [tilespmem:s25+$0xFFFFFF90];
	v19 =	vadd.s32 v2, v20;
	v21 =	vand.u32 $0x7D, v21;
	[tilespmem:v13+s16+$0x0] =	vst.idx.msk $0xffff, v16  }
0x188: {  	v27 =	vand.u32 $0x7E, v27;
	v13 =	vld [tilespmem:s25+$0xFFFFFFB0];
	v16 =	vadd.s32 v2, v21;
	[tilespmem:v12+s16+$0x0] =	vst.idx.msk $0xffff, v18  }
0x189: {  	v12 =	vld [tilespmem:s25+$0xFFFFFFD0];
	v18 =	vadd.s32 v2, v27;
	[tilespmem:v15+s16+$0x0] =	vst.idx.msk $0xffff, v22  }
0x18a: {  	v11 =	vadd.s32 v3, v11;
	[tilespmem:v14+s16+$0x0] =	vst.idx.msk $0xffff, v25;
	v14 =	vld [tilespmem:s17+$0xFFFFFFC0]  }
0x18b: {  	v10 =	vadd.s32 v3, v10;
	v15 =	vld [tilespmem:s17+$0xFFFFFFE0];
	[tilespmem:v26+s16+$0x0] =	vst.idx.msk $0xffff, v23  }
0x18c: {  	[tilespmem:v19+s16+$0x0] =	vst.idx.msk $0xffff, v17;
	v19 =	vadd.s32 v3, v24;
	v17 =	vld [tilespmem:s25+$0x0]  }
0x18d: {  	v20 =	vadd.s32 v3, v20;
	v22 =	vld [tilespmem:s25+$0xFFFFFFA0];
	[tilespmem:v16+s16+$0x0] =	vst.idx.msk $0xffff, v13  }
0x18e: {  	v13 =	vadd.s32 v3, v21;
	[tilespmem:v18+s16+$0x0] =	vst.idx.msk $0xffff, v12;
	v12 =	vld [tilespmem:s25+$0xFFFFFFC0]  }
0x18f: {  	p1 =	por $0x1, $0x1;
	[tilespmem:v11+s16+$0x0] =	vst.idx.msk $0xffff, v14;
	v11 =	vld [tilespmem:s25+$0xFFFFFFE0];
	v14 =	vadd.s32 v3, v27  }
.Ltmp19:
0x190: {  	[tilespmem:v10+s16+$0x0] =	vst.idx.msk $0xffff, v15;
	(pc) =	sbr.rel @!p1 .LBB2_42-.Ltmp19, $4  }
0x191: {  	s7 =	simm.s32 $0x0;
	[tilespmem:v19+s16+$0x0] =	vst.idx.msk $0xffff, v17  }
0x192: {  	s10 =	simm.s32 $0x3;
	p2 =	por $0x0, $0x0;
	p0 =	por $0x0, $0x0;
	[tilespmem:v20+s16+$0x0] =	vst.idx.msk $0xffff, v22  }
0x193: {  	s23 =	simm.s32 $0x7570;
	s19 =	simm.s32 $0x0;
	p3 =	por $0x0, $0x0;
	[tilespmem:v13+s16+$0x0] =	vst.idx.msk $0xffff, v12  }
0x194: {  	s18 =	simm.s32 $0x7570;
	s17 =	simm.s32 $0x4;
	s25 =	simm.s32 $0x3;
	[tilespmem:v14+s16+$0x0] =	vst.idx.msk $0xffff, v11  }
0x195: {  	v10 =	vmov s10  }
0x196: {  	v10 =	vand.u32 $0x7F, v10  }
0x197: {  	v19 =	vld [tilespmem:s18+$0xFFFFFFF0];
	p3 =	por $0x1, $0x1;
	v21 =	vadd.s32 v4, v10  }
.Ltmp20:
0x198: {  	_ = 	snop;
	(pc) =	sbr.rel @!p3 .LBB2_37-.Ltmp20, $4  }
0x199: {  	v11 =	vmov s7;
	s19 =	simm.s32 $0x1;
	s23 =	simm.s32 $0x2  }
0x19a: {  	v15 =	vld [tilespmem:s18+$0xFFFFFF90];
	v11 =	vand.u32 $0x7C, v11;
	v12 =	vmov s19;
	v14 =	vmov s23  }
0x19b: {  	v13 =	vld [tilespmem:s18+$0xFFFFFFB0];
	v17 =	vadd.s32 v4, v11;
	v20 =	vand.u32 $0x7D, v12;
	v18 =	vand.u32 $0x7E, v14  }
0x19c: {  	s25 =	simm.s32 $0x7;
	p2 =	por $0x1, $0x1;
	s19 =	simm.s32 $0x8;
	v12 =	vld [tilespmem:s18+$0xFFFFFFD0];
	v16 =	vadd.s32 v4, v20;
	v14 =	vadd.s32 v4, v18;
	[tilespmem:v21+s16+$0x0] =	vst.idx.msk $0xffff, v19  }
0x19d: {  	_ =	sdelay $0x3  }
0x19e: {  	v19 =	vmov s25;
	v21 =	vld [tilespmem:s18+$0x0];
	v22 =	vadd.s32 v5, v10;
	[tilespmem:v17+s16+$0x0] =	vst.idx.msk $0xffff, v15  }
0x19f: {  	v23 =	vadd.s32 v5, v11;
	s23 =	simm.s32 $0x75F0;
	v11 =	vmov s17;
	s24 =	simm.s32 $0x5;
	v10 =	vand.u32 $0x7F, v19;
	v19 =	vld [tilespmem:s18+$0xFFFFFFA0]  }
0x1a0: {  	s26 =	simm.s32 $0x6;
	p4 =	por $0x1, $0x1;
	v26 =	vld [tilespmem:s23+$0xFFFFFFF0];
	v11 =	vand.u32 $0x7C, v11;
	v27 =	vadd.s32 v4, v10;
	[tilespmem:v16+s16+$0x0] =	vst.idx.msk $0xffff, v13;
	v16 =	vmov s24  }
.Ltmp21:
0x1a1: {  	v15 =	vld [tilespmem:s23+$0xFFFFFF90];
	v17 =	vadd.s32 v4, v11;
	[tilespmem:v14+s16+$0x0] =	vst.idx.msk $0xffff, v12;
	v12 =	vmov s26;
	v25 =	vand.u32 $0x7D, v16;
	(pc) =	sbr.rel @!p4 .LBB2_39-.Ltmp21, $4  }
0x1a2: {  	v13 =	vld [tilespmem:s23+$0xFFFFFFB0];
	v24 =	vand.u32 $0x7E, v12;
	v16 =	vadd.s32 v4, v25  }
0x1a3: {  	v12 =	vld [tilespmem:s23+$0xFFFFFFD0];
	[tilespmem:v22+s16+$0x0] =	vst.idx.msk $0xffff, v21;
	v14 =	vadd.s32 v4, v24  }
0x1a4: {  	s25 =	simm.s32 $0xB;
	v21 =	vadd.s32 v5, v20;
	[tilespmem:v23+s16+$0x0] =	vst.idx.msk $0xffff, v19;
	v19 =	vld [tilespmem:s18+$0xFFFFFFC0]  }
0x1a5: {  	p3 =	por $0x1, $0x1;
	s24 =	simm.s32 $0x75F0;
	s26 =	simm.s32 $0xC;
	v22 =	vld [tilespmem:s18+$0xFFFFFFE0];
	[tilespmem:v27+s16+$0x0] =	vst.idx.msk $0xffff, v26;
	v23 =	vadd.s32 v5, v18  }
.LBB2_40:
0x1a6: {  	p4 =	slt.u32 s26, $0x7C;
	v18 =	vmov s25;
	[tilespmem:v17+s16+$0x0] =	vst.idx.msk $0xffff, v15;
	v20 =	vld [tilespmem:s23+$0x0];
	v26 =	vadd.s32 v5, v10  }
0x1a7: {  	v15 =	vmov s19;
	s25 =	sadd.s32 $0x1, s19;
	v27 =	vadd.s32 v5, v11;
	s23 =	sadd.s32 $0x80, s23;
	v10 =	vand.u32 $0x7F, v18;
	v18 =	vld [tilespmem:s24+$0xFFFFFFA0];
	[tilespmem:v16+s16+$0x0] =	vst.idx.msk $0xffff, v13  }
0x1a8: {  	v11 =	vand.u32 $0x7C, v15;
	v13 =	vmov s25;
	s25 =	sadd.s32 $0x2, s19;
	s19 =	smov.u32 s26;
	v28 =	vld [tilespmem:s23+$0xFFFFFFF0];
	v29 =	vadd.s32 v4, v10;
	[tilespmem:v14+s16+$0x0] =	vst.idx.msk $0xffff, v12  }
.Ltmp22:
0x1a9: {  	v17 =	vadd.s32 v4, v11;
	v30 =	vand.u32 $0x7D, v13;
	v12 =	vmov s25;
	v15 =	vld [tilespmem:s23+$0xFFFFFF90];
	[tilespmem:v21+s16+$0x0] =	vst.idx.msk $0xffff, v19;
	(pc) =	sbr.rel @p4 .LBB2_40-.Ltmp22, $4  }
0x1aa: {  	v16 =	vadd.s32 v4, v30;
	v31 =	vand.u32 $0x7E, v12;
	v13 =	vld [tilespmem:s23+$0xFFFFFFB0];
	[tilespmem:v23+s16+$0x0] =	vst.idx.msk $0xffff, v22  }
0x1ab: {  	v14 =	vadd.s32 v4, v31;
	v12 =	vld [tilespmem:s23+$0xFFFFFFD0];
	[tilespmem:v26+s16+$0x0] =	vst.idx.msk $0xffff, v20  }
0x1ac: {  	v21 =	vadd.s32 v5, v25;
	v25 =	vmov v30;
	[tilespmem:v27+s16+$0x0] =	vst.idx.msk $0xffff, v18;
	v19 =	vld [tilespmem:s24+$0xFFFFFFC0]  }
0x1ad: {  	s26 =	sadd.s32 $0x4, s26;
	s25 =	sadd.s32 $0x3, s19;
	v23 =	vadd.s32 v5, v24;
	v24 =	vmov v31;
	[tilespmem:v29+s16+$0x0] =	vst.idx.msk $0xffff, v28;
	v22 =	vld [tilespmem:s24+$0xFFFFFFE0];
	s24 =	smov.u32 s23  }
0x1ae: {  	v20 =	vmov v25;
	v18 =	vmov v24  }
.LBB2_42:
0x1af: {  	_ =	sdelay $0x3  }
0x1b0: {  	[tilespmem:v17+s16+$0x0] =	vst.idx.msk @p2 $0xffff, v15;
	v15 =	vld @p2 [tilespmem:s23+$0x0];
	s23 =	sadd.s32 @p2 $0x80, s23  }
0x1b1: {  	v48 =	vmov s25;
	v10 =	vadd.s32 @p2 v5, v10;
	v24 =	vld @p2 [tilespmem:s24+$0xFFFFFFA0];
	s18 =	smov.u32 @p2 s23  }
0x1b2: {  	v25 =	vmov s19;
	s25 =	sadd.s32 $0x1, s19;
	v11 =	vadd.s32 @p2 v5, v11;
	[tilespmem:v16+s16+$0x0] =	vst.idx.msk @p2 $0xffff, v13;
	v17 =	vand.u32 $0x7F, v48;
	v49 =	vld [tilespmem:s18+$0xFFFFFFF0]  }
0x1b3: {  	s26 =	sadd.s32 $0x2, s19;
	v50 =	vand.u32 $0x7C, v25;
	v51 =	vmov s25;
	[tilespmem:v14+s16+$0x0] =	vst.idx.msk @p2 $0xffff, v12;
	v26 =	vadd.s32 v4, v17;
	v52 =	vld [tilespmem:s18+$0xFFFFFF90]  }
0x1b4: {  	v27 =	vmov s26;
	v53 =	vadd.s32 v4, v50;
	v25 =	vand.u32 $0x7D, v51;
	[tilespmem:v21+s16+$0x0] =	vst.idx.msk @p3 $0xffff, v19;
	v54 =	vld [tilespmem:s18+$0xFFFFFFB0]  }
0x1b5: {  	v27 =	vand.u32 $0x7E, v27;
	v56 =	vld [tilespmem:s18+$0xFFFFFFD0];
	v55 =	vadd.s32 v4, v25;
	[tilespmem:v23+s16+$0x0] =	vst.idx.msk @p3 $0xffff, v22  }
0x1b6: {  	v57 =	vadd.s32 v4, v27;
	[tilespmem:v10+s16+$0x0] =	vst.idx.msk @p2 $0xffff, v15;
	v10 =	vld @p2 [tilespmem:s24+$0xFFFFFFC0];
	v15 =	vadd.s32 @p2 v5, v20  }
0x1b7: {  	v18 =	vadd.s32 @p2 v5, v18;
	[tilespmem:v11+s16+$0x0] =	vst.idx.msk @p2 $0xffff, v24;
	v11 =	vld @p2 [tilespmem:s24+$0xFFFFFFE0];
	v15 =	vpsel p2, v15, v0  }
0x1b8: {  	v13 =	vpsel p2, v18, v0;
	[tilespmem:v26+s16+$0x0] =	vst.idx.msk $0xffff, v49  }
0x1b9: {  	v59 =	vadd.s32 v5, v17;
	[tilespmem:v53+s16+$0x0] =	vst.idx.msk $0xffff, v52;
	v58 =	vld [tilespmem:s18+$0x0]  }
0x1ba: {  	v16 =	vadd.s32 v5, v50;
	v60 =	vld [tilespmem:s18+$0xFFFFFFA0];
	[tilespmem:v55+s16+$0x0] =	vst.idx.msk $0xffff, v54  }
0x1bb: {  	v62 =	vadd.s32 v5, v25;
	[tilespmem:v57+s16+$0x0] =	vst.idx.msk $0xffff, v56;
	v61 =	vld [tilespmem:s18+$0xFFFFFFC0];
	v10 =	vpsel p2, v10, v0  }
0x1bc: {  	v63 =	vadd.s32 v5, v27;
	v11 =	vpsel p2, v11, v0;
	[tilespmem:v15+s16+$0x0] =	vst.idx.msk @p2 $0xffff, v10;
	v10 =	vld [tilespmem:s18+$0xFFFFFFE0]  }
.Ltmp23:
0x1bd: {  	[tilespmem:v13+s16+$0x0] =	vst.idx.msk @p2 $0xffff, v11;
	(pc) =	sbr.rel @!p1 .LBB2_43-.Ltmp23, $4  }
0x1be: {  	[tilespmem:v59+s16+$0x0] =	vst.idx.msk $0xffff, v58  }
0x1bf: {  	[tilespmem:v16+s16+$0x0] =	vst.idx.msk $0xffff, v60  }
0x1c0: {  	[tilespmem:v62+s16+$0x0] =	vst.idx.msk $0xffff, v61  }
0x1c1: {  	s18 =	simm.s32 $0x8570;
	[tilespmem:v63+s16+$0x0] =	vst.idx.msk $0xffff, v10  }
0x1c2: {  	v10 =	vmov s10  }
0x1c3: {  	v10 =	vand.u32 $0x7F, v10  }
0x1c4: {  	v19 =	vld [tilespmem:s18+$0xFFFFFFF0];
	p2 =	por $0x1, $0x1;
	v21 =	vadd.s32 v6, v10  }
.Ltmp24:
0x1c5: {  	_ = 	snop;
	(pc) =	sbr.rel @!p2 .LBB2_45-.Ltmp24, $4  }
0x1c6: {  	v11 =	vmov s7;
	s25 =	simm.s32 $0x1;
	s26 =	simm.s32 $0x2  }
0x1c7: {  	v15 =	vld [tilespmem:s18+$0xFFFFFF90];
	v11 =	vand.u32 $0x7C, v11;
	v12 =	vmov s25;
	v14 =	vmov s26  }
0x1c8: {  	v13 =	vld [tilespmem:s18+$0xFFFFFFB0];
	v17 =	vadd.s32 v6, v11;
	v20 =	vand.u32 $0x7D, v12;
	v18 =	vand.u32 $0x7E, v14  }
0x1c9: {  	s10 =	simm.s32 $0x7;
	s7 =	simm.s32 $0x8;
	p1 =	por $0x1, $0x1;
	v12 =	vld [tilespmem:s18+$0xFFFFFFD0];
	v16 =	vadd.s32 v6, v20;
	v14 =	vadd.s32 v6, v18;
	[tilespmem:v21+s16+$0x0] =	vst.idx.msk $0xffff, v19  }
0x1ca: {  	_ =	sdelay $0x3  }
0x1cb: {  	v19 =	vmov s10;
	v21 =	vld [tilespmem:s18+$0x0];
	v22 =	vadd.s32 v7, v10;
	[tilespmem:v17+s16+$0x0] =	vst.idx.msk $0xffff, v15  }
0x1cc: {  	v23 =	vadd.s32 v7, v11;
	s19 =	simm.s32 $0x85F0;
	v11 =	vmov s17;
	s25 =	simm.s32 $0x5;
	v10 =	vand.u32 $0x7F, v19;
	v19 =	vld [tilespmem:s18+$0xFFFFFFA0]  }
0x1cd: {  	s26 =	simm.s32 $0x6;
	p2 =	por $0x1, $0x1;
	v26 =	vld [tilespmem:s19+$0xFFFFFFF0];
	v11 =	vand.u32 $0x7C, v11;
	v27 =	vadd.s32 v6, v10;
	[tilespmem:v16+s16+$0x0] =	vst.idx.msk $0xffff, v13;
	v16 =	vmov s25  }
.Ltmp25:
0x1ce: {  	v15 =	vld [tilespmem:s19+$0xFFFFFF90];
	v17 =	vadd.s32 v6, v11;
	[tilespmem:v14+s16+$0x0] =	vst.idx.msk $0xffff, v12;
	v12 =	vmov s26;
	v25 =	vand.u32 $0x7D, v16;
	(pc) =	sbr.rel @!p2 .LBB2_47-.Ltmp25, $4  }
0x1cf: {  	v13 =	vld [tilespmem:s19+$0xFFFFFFB0];
	v24 =	vand.u32 $0x7E, v12;
	v16 =	vadd.s32 v6, v25  }
0x1d0: {  	v12 =	vld [tilespmem:s19+$0xFFFFFFD0];
	[tilespmem:v22+s16+$0x0] =	vst.idx.msk $0xffff, v21;
	v14 =	vadd.s32 v6, v24  }
0x1d1: {  	s10 =	simm.s32 $0xB;
	v21 =	vadd.s32 v7, v20;
	[tilespmem:v23+s16+$0x0] =	vst.idx.msk $0xffff, v19;
	v19 =	vld [tilespmem:s18+$0xFFFFFFC0]  }
0x1d2: {  	s23 =	simm.s32 $0xC;
	p0 =	por $0x1, $0x1;
	s17 =	simm.s32 $0x85F0;
	v22 =	vld [tilespmem:s18+$0xFFFFFFE0];
	[tilespmem:v27+s16+$0x0] =	vst.idx.msk $0xffff, v26;
	v23 =	vadd.s32 v7, v18  }
.LBB2_48:
0x1d3: {  	p2 =	slt.u32 s23, $0x7C;
	v18 =	vmov s10;
	[tilespmem:v17+s16+$0x0] =	vst.idx.msk $0xffff, v15;
	v20 =	vld [tilespmem:s19+$0x0];
	v26 =	vadd.s32 v7, v10  }
0x1d4: {  	v15 =	vmov s7;
	s10 =	sadd.s32 $0x1, s7;
	v27 =	vadd.s32 v7, v11;
	s19 =	sadd.s32 $0x80, s19;
	v10 =	vand.u32 $0x7F, v18;
	v18 =	vld [tilespmem:s17+$0xFFFFFFA0];
	[tilespmem:v16+s16+$0x0] =	vst.idx.msk $0xffff, v13  }
0x1d5: {  	v11 =	vand.u32 $0x7C, v15;
	v13 =	vmov s10;
	s10 =	sadd.s32 $0x2, s7;
	s7 =	smov.u32 s23;
	v28 =	vld [tilespmem:s19+$0xFFFFFFF0];
	v29 =	vadd.s32 v6, v10;
	[tilespmem:v14+s16+$0x0] =	vst.idx.msk $0xffff, v12  }
.Ltmp26:
0x1d6: {  	v17 =	vadd.s32 v6, v11;
	v30 =	vand.u32 $0x7D, v13;
	v12 =	vmov s10;
	v15 =	vld [tilespmem:s19+$0xFFFFFF90];
	[tilespmem:v21+s16+$0x0] =	vst.idx.msk $0xffff, v19;
	(pc) =	sbr.rel @p2 .LBB2_48-.Ltmp26, $4  }
0x1d7: {  	v16 =	vadd.s32 v6, v30;
	v31 =	vand.u32 $0x7E, v12;
	v13 =	vld [tilespmem:s19+$0xFFFFFFB0];
	[tilespmem:v23+s16+$0x0] =	vst.idx.msk $0xffff, v22  }
0x1d8: {  	v14 =	vadd.s32 v6, v31;
	v12 =	vld [tilespmem:s19+$0xFFFFFFD0];
	[tilespmem:v26+s16+$0x0] =	vst.idx.msk $0xffff, v20  }
0x1d9: {  	v21 =	vadd.s32 v7, v25;
	v25 =	vmov v30;
	[tilespmem:v27+s16+$0x0] =	vst.idx.msk $0xffff, v18;
	v19 =	vld [tilespmem:s17+$0xFFFFFFC0]  }
0x1da: {  	s23 =	sadd.s32 $0x4, s23;
	s10 =	sadd.s32 $0x3, s7;
	v23 =	vadd.s32 v7, v24;
	v24 =	vmov v31;
	[tilespmem:v29+s16+$0x0] =	vst.idx.msk $0xffff, v28;
	v22 =	vld [tilespmem:s17+$0xFFFFFFE0];
	s17 =	smov.u32 s19  }
0x1db: {  	v20 =	vmov v25;
	v18 =	vmov v24  }
.LBB2_50:
0x1dc: {  	_ =	sdelay $0x3  }
0x1dd: {  	[tilespmem:v17+s16+$0x0] =	vst.idx.msk @p1 $0xffff, v15;
	v15 =	vld @p1 [tilespmem:s19+$0x0];
	s19 =	sadd.s32 @p1 $0x80, s19  }
0x1de: {  	v48 =	vmov s10;
	v10 =	vadd.s32 @p1 v7, v10;
	v24 =	vld @p1 [tilespmem:s17+$0xFFFFFFA0];
	s18 =	smov.u32 @p1 s19  }
0x1df: {  	v25 =	vmov s7;
	s25 =	sadd.s32 $0x1, s7;
	v11 =	vadd.s32 @p1 v7, v11;
	[tilespmem:v16+s16+$0x0] =	vst.idx.msk @p1 $0xffff, v13;
	v17 =	vand.u32 $0x7F, v48;
	v49 =	vld [tilespmem:s18+$0xFFFFFFF0]  }
0x1e0: {  	s26 =	sadd.s32 $0x2, s7;
	v50 =	vand.u32 $0x7C, v25;
	v51 =	vmov s25;
	[tilespmem:v14+s16+$0x0] =	vst.idx.msk @p1 $0xffff, v12;
	v26 =	vadd.s32 v6, v17;
	v52 =	vld [tilespmem:s18+$0xFFFFFF90]  }
0x1e1: {  	v27 =	vmov s26;
	v53 =	vadd.s32 v6, v50;
	v25 =	vand.u32 $0x7D, v51;
	[tilespmem:v21+s16+$0x0] =	vst.idx.msk @p0 $0xffff, v19;
	v54 =	vld [tilespmem:s18+$0xFFFFFFB0]  }
0x1e2: {  	v27 =	vand.u32 $0x7E, v27;
	v56 =	vld [tilespmem:s18+$0xFFFFFFD0];
	v55 =	vadd.s32 v6, v25;
	[tilespmem:v23+s16+$0x0] =	vst.idx.msk @p0 $0xffff, v22  }
0x1e3: {  	v57 =	vadd.s32 v6, v27;
	[tilespmem:v10+s16+$0x0] =	vst.idx.msk @p1 $0xffff, v15;
	v10 =	vld @p1 [tilespmem:s17+$0xFFFFFFC0];
	v15 =	vadd.s32 @p1 v7, v20  }
0x1e4: {  	v18 =	vadd.s32 @p1 v7, v18;
	[tilespmem:v11+s16+$0x0] =	vst.idx.msk @p1 $0xffff, v24;
	v11 =	vld @p1 [tilespmem:s17+$0xFFFFFFE0];
	v15 =	vpsel p1, v15, v0  }
0x1e5: {  	v13 =	vpsel p1, v18, v0;
	[tilespmem:v26+s16+$0x0] =	vst.idx.msk $0xffff, v49  }
0x1e6: {  	v59 =	vadd.s32 v7, v17;
	[tilespmem:v53+s16+$0x0] =	vst.idx.msk $0xffff, v52;
	v58 =	vld [tilespmem:s18+$0x0]  }
0x1e7: {  	v16 =	vadd.s32 v7, v50;
	v60 =	vld [tilespmem:s18+$0xFFFFFFA0];
	[tilespmem:v55+s16+$0x0] =	vst.idx.msk $0xffff, v54  }
0x1e8: {  	v62 =	vadd.s32 v7, v25;
	[tilespmem:v57+s16+$0x0] =	vst.idx.msk $0xffff, v56;
	v61 =	vld [tilespmem:s18+$0xFFFFFFC0];
	v10 =	vpsel p1, v10, v0  }
0x1e9: {  	p2 =	por $0x1, $0x1;
	v63 =	vadd.s32 v7, v27;
	v11 =	vpsel p1, v11, v0;
	[tilespmem:v15+s16+$0x0] =	vst.idx.msk @p1 $0xffff, v10;
	v10 =	vld [tilespmem:s18+$0xFFFFFFE0]  }
.Ltmp27:
0x1ea: {  	[tilespmem:v13+s16+$0x0] =	vst.idx.msk @p1 $0xffff, v11;
	(pc) =	sbr.rel @!p2 .LBB2_51-.Ltmp27, $4  }
0x1eb: {  	[tilespmem:v59+s16+$0x0] =	vst.idx.msk $0xffff, v58  }
0x1ec: {  	[tilespmem:v16+s16+$0x0] =	vst.idx.msk $0xffff, v60  }
0x1ed: {  	s10 =	simm.s32 $0x0;
	s7 =	simm.s32 $0x9500;
	s19 =	simm.s32 $0x3;
	[tilespmem:v62+s16+$0x0] =	vst.idx.msk $0xffff, v61  }
0x1ee: {  	p0 =	por $0x0, $0x0;
	s18 =	simm.s32 $0x4;
	p1 =	por $0x0, $0x0;
	[tilespmem:v63+s16+$0x0] =	vst.idx.msk $0xffff, v10  }
0x1ef: {  	v10 =	vmov s19  }
0x1f0: {  	v10 =	vand.u32 $0x7F, v10  }
0x1f1: {  	v19 =	vld [tilespmem:s7+$0x60];
	p2 =	por $0x1, $0x1;
	v21 =	vadd.s32 v8, v10  }
.Ltmp28:
0x1f2: {  	_ = 	snop;
	(pc) =	sbr.rel @!p2 .LBB2_53-.Ltmp28, $4  }
0x1f3: {  	v11 =	vmov s10;
	s26 =	simm.s32 $0x1;
	s17 =	simm.s32 $0x2  }
0x1f4: {  	v15 =	vld [tilespmem:s7+$0x0];
	v11 =	vand.u32 $0x7C, v11;
	v12 =	vmov s26;
	v14 =	vmov s17  }
0x1f5: {  	v13 =	vld [tilespmem:s7+$0x20];
	v17 =	vadd.s32 v8, v11;
	v20 =	vand.u32 $0x7D, v12;
	v18 =	vand.u32 $0x7E, v14  }
0x1f6: {  	s19 =	simm.s32 $0x7;
	s10 =	simm.s32 $0x8;
	p0 =	por $0x1, $0x1;
	v12 =	vld [tilespmem:s7+$0x40];
	v16 =	vadd.s32 v8, v20;
	v14 =	vadd.s32 v8, v18;
	[tilespmem:v21+s16+$0x0] =	vst.idx.msk $0xffff, v19  }
0x1f7: {  	_ =	sdelay $0x3  }
0x1f8: {  	v19 =	vmov s19;
	v21 =	vld [tilespmem:s7+$0x70];
	v22 =	vadd.s32 v9, v10;
	[tilespmem:v17+s16+$0x0] =	vst.idx.msk $0xffff, v15  }
0x1f9: {  	v23 =	vadd.s32 v9, v11;
	s17 =	simm.s32 $0x9580;
	v11 =	vmov s18;
	s25 =	simm.s32 $0x5;
	v10 =	vand.u32 $0x7F, v19;
	v19 =	vld [tilespmem:s7+$0x10]  }
0x1fa: {  	s26 =	simm.s32 $0x6;
	p2 =	por $0x1, $0x1;
	v26 =	vld [tilespmem:s17+$0x60];
	v11 =	vand.u32 $0x7C, v11;
	v27 =	vadd.s32 v8, v10;
	[tilespmem:v16+s16+$0x0] =	vst.idx.msk $0xffff, v13;
	v16 =	vmov s25  }
.Ltmp29:
0x1fb: {  	v15 =	vld [tilespmem:s17+$0x0];
	v17 =	vadd.s32 v8, v11;
	[tilespmem:v14+s16+$0x0] =	vst.idx.msk $0xffff, v12;
	v12 =	vmov s26;
	v25 =	vand.u32 $0x7D, v16;
	(pc) =	sbr.rel @!p2 .LBB2_55-.Ltmp29, $4  }
0x1fc: {  	v13 =	vld [tilespmem:s17+$0x20];
	v24 =	vand.u32 $0x7E, v12;
	v16 =	vadd.s32 v8, v25  }
0x1fd: {  	v12 =	vld [tilespmem:s17+$0x40];
	[tilespmem:v22+s16+$0x0] =	vst.idx.msk $0xffff, v21;
	v14 =	vadd.s32 v8, v24  }
0x1fe: {  	s19 =	simm.s32 $0xB;
	v21 =	vadd.s32 v9, v20;
	[tilespmem:v23+s16+$0x0] =	vst.idx.msk $0xffff, v19;
	v19 =	vld [tilespmem:s7+$0x30]  }
0x1ff: {  	s23 =	simm.s32 $0xC;
	p1 =	por $0x1, $0x1;
	s18 =	simm.s32 $0x9580;
	v22 =	vld [tilespmem:s7+$0x50];
	[tilespmem:v27+s16+$0x0] =	vst.idx.msk $0xffff, v26;
	v23 =	vadd.s32 v9, v18  }
.LBB2_56:
0x200: {  	p2 =	slt.u32 s23, $0x7C;
	v18 =	vmov s19;
	[tilespmem:v17+s16+$0x0] =	vst.idx.msk $0xffff, v15;
	v20 =	vld [tilespmem:s17+$0x70];
	v26 =	vadd.s32 v9, v10  }
0x201: {  	v15 =	vmov s10;
	s19 =	sadd.s32 $0x1, s10;
	v27 =	vadd.s32 v9, v11;
	s17 =	sadd.s32 $0x80, s17;
	v10 =	vand.u32 $0x7F, v18;
	v18 =	vld [tilespmem:s18+$0x10];
	[tilespmem:v16+s16+$0x0] =	vst.idx.msk $0xffff, v13  }
0x202: {  	v11 =	vand.u32 $0x7C, v15;
	v13 =	vmov s19;
	s19 =	sadd.s32 $0x2, s10;
	s10 =	smov.u32 s23;
	v28 =	vld [tilespmem:s17+$0x60];
	v29 =	vadd.s32 v8, v10;
	[tilespmem:v14+s16+$0x0] =	vst.idx.msk $0xffff, v12  }
.Ltmp30:
0x203: {  	v17 =	vadd.s32 v8, v11;
	v30 =	vand.u32 $0x7D, v13;
	v12 =	vmov s19;
	v15 =	vld [tilespmem:s17+$0x0];
	[tilespmem:v21+s16+$0x0] =	vst.idx.msk $0xffff, v19;
	(pc) =	sbr.rel @p2 .LBB2_56-.Ltmp30, $4  }
0x204: {  	v16 =	vadd.s32 v8, v30;
	v31 =	vand.u32 $0x7E, v12;
	v13 =	vld [tilespmem:s17+$0x20];
	[tilespmem:v23+s16+$0x0] =	vst.idx.msk $0xffff, v22  }
0x205: {  	v14 =	vadd.s32 v8, v31;
	v12 =	vld [tilespmem:s17+$0x40];
	[tilespmem:v26+s16+$0x0] =	vst.idx.msk $0xffff, v20  }
0x206: {  	v21 =	vadd.s32 v9, v25;
	v25 =	vmov v30;
	[tilespmem:v27+s16+$0x0] =	vst.idx.msk $0xffff, v18;
	v19 =	vld [tilespmem:s18+$0x30]  }
0x207: {  	s23 =	sadd.s32 $0x4, s23;
	s19 =	sadd.s32 $0x3, s10;
	v23 =	vadd.s32 v9, v24;
	v24 =	vmov v31;
	[tilespmem:v29+s16+$0x0] =	vst.idx.msk $0xffff, v28;
	v22 =	vld [tilespmem:s18+$0x50];
	s18 =	smov.u32 s17  }
0x208: {  	v20 =	vmov v25;
	v18 =	vmov v24  }
.LBB2_58:
0x209: {  	_ =	sdelay $0x3  }
0x20a: {  	[tilespmem:v17+s16+$0x0] =	vst.idx.msk @p0 $0xffff, v15;
	v15 =	vld @p0 [tilespmem:s17+$0x70];
	s17 =	sadd.s32 @p0 $0x80, s17  }
0x20b: {  	v48 =	vmov s19;
	v10 =	vadd.s32 @p0 v9, v10;
	v24 =	vld @p0 [tilespmem:s18+$0x10];
	s7 =	smov.u32 @p0 s17  }
0x20c: {  	v25 =	vmov s10;
	s26 =	sadd.s32 $0x1, s10;
	v11 =	vadd.s32 @p0 v9, v11;
	[tilespmem:v16+s16+$0x0] =	vst.idx.msk @p0 $0xffff, v13;
	v17 =	vand.u32 $0x7F, v48;
	v49 =	vld [tilespmem:s7+$0x60]  }
0x20d: {  	v50 =	vand.u32 $0x7C, v25;
	v51 =	vmov s26;
	s17 =	sadd.s32 $0x2, s10;
	[tilespmem:v14+s16+$0x0] =	vst.idx.msk @p0 $0xffff, v12;
	v26 =	vadd.s32 v8, v17;
	v52 =	vld [tilespmem:s7+$0x0]  }
0x20e: {  	v53 =	vadd.s32 v8, v50;
	v25 =	vand.u32 $0x7D, v51;
	v27 =	vmov s17;
	[tilespmem:v21+s16+$0x0] =	vst.idx.msk @p1 $0xffff, v19;
	v54 =	vld [tilespmem:s7+$0x20]  }
0x20f: {  	v56 =	vld [tilespmem:s7+$0x40];
	v55 =	vadd.s32 v8, v25;
	v27 =	vand.u32 $0x7E, v27;
	[tilespmem:v23+s16+$0x0] =	vst.idx.msk @p1 $0xffff, v22  }
0x210: {  	v57 =	vadd.s32 v8, v27;
	[tilespmem:v10+s16+$0x0] =	vst.idx.msk @p0 $0xffff, v15;
	v10 =	vld @p0 [tilespmem:s18+$0x30];
	v15 =	vadd.s32 @p0 v9, v20  }
0x211: {  	v18 =	vadd.s32 @p0 v9, v18;
	[tilespmem:v11+s16+$0x0] =	vst.idx.msk @p0 $0xffff, v24;
	v11 =	vld @p0 [tilespmem:s18+$0x50];
	v15 =	vpsel p0, v15, v0  }
0x212: {  	v13 =	vpsel p0, v18, v0;
	[tilespmem:v26+s16+$0x0] =	vst.idx.msk $0xffff, v49  }
0x213: {  	v59 =	vadd.s32 v9, v17;
	[tilespmem:v53+s16+$0x0] =	vst.idx.msk $0xffff, v52;
	v58 =	vld [tilespmem:s7+$0x70]  }
0x214: {  	v16 =	vadd.s32 v9, v50;
	v60 =	vld [tilespmem:s7+$0x10];
	[tilespmem:v55+s16+$0x0] =	vst.idx.msk $0xffff, v54  }
0x215: {  	v62 =	vadd.s32 v9, v25;
	[tilespmem:v57+s16+$0x0] =	vst.idx.msk $0xffff, v56;
	v61 =	vld [tilespmem:s7+$0x30];
	v10 =	vpsel p0, v10, v0  }
0x216: {  	v63 =	vadd.s32 v9, v27;
	v11 =	vpsel p0, v11, v0;
	[tilespmem:v15+s16+$0x0] =	vst.idx.msk @p0 $0xffff, v10;
	v10 =	vld [tilespmem:s7+$0x50]  }
0x217: {  	[tilespmem:v13+s16+$0x0] =	vst.idx.msk @p0 $0xffff, v11  }
0x218: {  	[tilespmem:v59+s16+$0x0] =	vst.idx.msk $0xffff, v58  }
0x219: {  	p0 =	seq.s32 s20, $0x13;
	[tilespmem:v16+s16+$0x0] =	vst.idx.msk $0xffff, v60  }
0x21a: {  	s7 =	smul.u32 @!p0 $0xA000, s20;
	[tilespmem:v62+s16+$0x0] =	vst.idx.msk $0xffff, v61  }
0x21b: {  	s10 =	simm.s32 @!p0 $0x3;
	[tilespmem:v63+s16+$0x0] =	vst.idx.msk $0xffff, v10  }
0x21c: {  	s17 =	simm.s32 @!p0 $0x1000;
	s7 =	sadd.s32 @!p0 s8, s7;
	_ =	swait.ge @!p0 [sflag:s10], $0x5000  }
0x21d: {  	s18 =	simm.s32 @!p0 $0x0;
	s7 =	sshrl.u32 @!p0 s7, $0x3;
	[sflag:s10] =	ssyncset.done @!p0 $0x0  }
0x21e: {  	s7 =	sadd.s32 @!p0 s4, s7;
	[sflag:s10] =	ssyncadd.s32 @!p0 $0xFFFFB000;
	s10 =	simm.s32 @!p0 $0x80  }
0x21f: {  	[tilespmem:s18], [sflag:$0x5] =	stream.strided.gather @!p0 [hbm4b:s7+s10], $0x280, s17, s10, $0x38;
	[tilespmem:$0x14F00] =	vst v63  }
0x220: {  	s7 =	simm.s32 @!p0 $0x5  }
0x221: {  	_ =	swait.ge @!p0 [sflag:s7], $0x280  }
0x222: {  	[sflag:s7] =	ssyncset.done @!p0 $0x0  }
0x223: {  	[sflag:s7] =	ssyncadd.s32 @!p0 $0xFFFFFD80;
	s7 =	simm.s32 @!p0 $0x500  }
0x224: {  	[tilespmem:s7], [sflag:$0x1] =	stream.indirect.gather @!p0 [hbm4b:s5+s10], $0x20, s18, s10, $0xb8;
	[tilespmem:$0x14F00] =	vst v63  }
0x225: {  	s7 =	simm.s32 @!p0 $0x1500  }
0x226: {  	[tilespmem:s7], [sflag:$0x1] =	stream.indirect.gather @!p0 [hbm4b:s5+s10], $0x20, s10, s10, $0xb8;
	[tilespmem:$0x14F00] =	vst v63  }
0x227: {  	s17 =	simm.s32 @!p0 $0x2500;
	s7 =	simm.s32 @!p0 $0x100  }
0x228: {  	[tilespmem:s17], [sflag:$0x1] =	stream.indirect.gather @!p0 [hbm4b:s5+s10], $0x20, s7, s10, $0xb8;
	[tilespmem:$0x14F00] =	vst v63  }
0x229: {  	s7 =	simm.s32 @!p0 $0x180;
	s17 =	simm.s32 @!p0 $0x3500  }
0x22a: {  	[tilespmem:s17], [sflag:$0x1] =	stream.indirect.gather @!p0 [hbm4b:s5+s10], $0x20, s7, s10, $0xb8;
	[tilespmem:$0x14F00] =	vst v63  }
0x22b: {  	s19 =	sshll.u32 s21, $0x11;
	s7 =	simm.s32 @!p0 $0x200;
	s17 =	simm.s32 @!p0 $0x4500  }
0x22c: {  	[tilespmem:s17], [sflag:$0x1] =	stream.indirect.gather @!p0 [hbm4b:s5+s10], $0x20, s7, s10, $0xb8;
	[tilespmem:$0x14F00] =	vst v63  }
0x22d: {  	s7 =	sor.u32 s9, s19  }
0x22e: {  	s7 =	sshrl.u32 s7, $0x3  }
0x22f: {  	s21 =	simm.s32 $0xFA00;
	s10 =	sadd.s32 s1, s7  }
0x230: {  	[hbm4b:s10+s3] =	stream.linear.scatter [tilespmem:s21], [sflag:$0x4], $0x80, $0x38;
	[tilespmem:$0x14F00] =	vst v63  }
0x231: {  	s23 =	simm.s32 $0xFA88;
	s24 =	sadd.s32 $0x10, s10  }
0x232: {  	[hbm4b:s24+s3] =	stream.linear.scatter [tilespmem:s23], [sflag:$0x4], $0x80, $0x38;
	[tilespmem:$0x14F00] =	vst v63  }
0x233: {  	s25 =	simm.s32 $0xFB10;
	s17 =	simm.s32 $0xFB98;
	s26 =	sadd.s32 $0x20, s10  }
0x234: {  	[hbm4b:s26+s3] =	stream.linear.scatter [tilespmem:s25], [sflag:$0x4], $0x80, $0x38;
	[tilespmem:$0x14F00] =	vst v63  }
0x235: {  	s19 =	simm.s32 $0xFC20;
	s7 =	simm.s32 $0x440;
	s18 =	sadd.s32 $0x30, s10  }
0x236: {  	[hbm4b:s18+s3] =	stream.linear.scatter [tilespmem:s17], [sflag:$0x4], $0x80, $0x38;
	[tilespmem:$0x14F00] =	vst v63  }
0x237: {  	s21 =	sadd.s32 $0x40, s10;
	s23 =	simm.s32 $0xFCA8;
	s24 =	sadd.s32 $0x50, s10  }
0x238: {  	[hbm4b:s21+s3] =	stream.linear.scatter [tilespmem:s19], [sflag:$0x4], $0x80, $0x38;
	[tilespmem:$0x14F00] =	vst v63  }
0x239: {  	s25 =	simm.s32 $0xFD30;
	s26 =	sadd.s32 $0x60, s10;
	s17 =	simm.s32 $0x2200  }
0x23a: {  	[hbm4b:s24+s3] =	stream.linear.scatter [tilespmem:s23], [sflag:$0x4], $0x80, $0x38;
	[tilespmem:$0x14F00] =	vst v63  }
0x23b: {  	s18 =	simm.s32 $0xFDB8;
	s19 =	sadd.s32 $0x70, s10;
	s10 =	sadd.s32 $0x1000, s10  }
0x23c: {  	[hbm4b:s26+s3] =	stream.linear.scatter [tilespmem:s25], [sflag:$0x4], $0x80, $0x38;
	[tilespmem:$0x14F00] =	vst v63  }
.LBB2_59:
0x23d: {  	[hbm4b:s19+s3] =	stream.linear.scatter [tilespmem:s18], [sflag:$0x4], $0x80, $0x38;
	[tilespmem:$0x14F00] =	vst v63  }
0x23e: {  	s18 =	smov.u32 s7;
	s7 =	smov.u32 s17  }
0x23f: {  	s21 =	sadd.s32 $0x1100, s17;
	s7 =	sshra.s32 s7, $0x2;
	s19 =	sadd.s32 $0xFA00, s18  }
0x240: {  	[hbm4b:s10+s3] =	stream.linear.scatter [tilespmem:s19], [sflag:$0x4], $0x80, $0x38;
	[tilespmem:$0x14F00] =	vst v63  }
0x241: {  	p0 =	sne.s32 s17, $0x14300;
	s17 =	sadd.s32 $0xFA88, s18;
	s19 =	sadd.s32 $0x10, s10  }
0x242: {  	[hbm4b:s19+s3] =	stream.linear.scatter [tilespmem:s17], [sflag:$0x4], $0x80, $0x38;
	[tilespmem:$0x14F00] =	vst v63  }
0x243: {  	s17 =	sadd.s32 $0xFB10, s18;
	s19 =	sadd.s32 $0x20, s10  }
0x244: {  	[hbm4b:s19+s3] =	stream.linear.scatter [tilespmem:s17], [sflag:$0x4], $0x80, $0x38;
	[tilespmem:$0x14F00] =	vst v63  }
0x245: {  	s17 =	sadd.s32 $0xFB98, s18;
	s19 =	sadd.s32 $0x30, s10  }
0x246: {  	[hbm4b:s19+s3] =	stream.linear.scatter [tilespmem:s17], [sflag:$0x4], $0x80, $0x38;
	[tilespmem:$0x14F00] =	vst v63  }
0x247: {  	s17 =	sadd.s32 $0xFC20, s18;
	s19 =	sadd.s32 $0x40, s10  }
0x248: {  	[hbm4b:s19+s3] =	stream.linear.scatter [tilespmem:s17], [sflag:$0x4], $0x80, $0x38;
	[tilespmem:$0x14F00] =	vst v63  }
.Ltmp31:
0x249: {  	s17 =	sadd.s32 $0xFCA8, s18;
	s19 =	sadd.s32 $0x50, s10;
	(pc) =	sbr.rel @p0 .LBB2_59-.Ltmp31, $4  }
0x24a: {  	[hbm4b:s19+s3] =	stream.linear.scatter [tilespmem:s17], [sflag:$0x4], $0x80, $0x38;
	[tilespmem:$0x14F00] =	vst v63  }
0x24b: {  	s17 =	sadd.s32 $0xFD30, s18;
	s19 =	sadd.s32 $0x60, s10;
	s18 =	sadd.s32 $0xFDB8, s18  }
0x24c: {  	[hbm4b:s19+s3] =	stream.linear.scatter [tilespmem:s17], [sflag:$0x4], $0x80, $0x38;
	[tilespmem:$0x14F00] =	vst v63  }
0x24d: {  	s19 =	sadd.s32 $0x70, s10;
	s10 =	sadd.s32 $0x1000, s10;
	s17 =	smov.u32 s21  }
0x24e: {  	[hbm4b:s19+s3] =	stream.linear.scatter [tilespmem:s18], [sflag:$0x4], $0x80, $0x38;
	[tilespmem:$0x14F00] =	vst v63  }
0x24f: {  	s17 =	sadd.s32 $0xFA00, s7  }
0x250: {  	[hbm4b:s10+s3] =	stream.linear.scatter [tilespmem:s17], [sflag:$0x4], $0x80, $0x38;
	[tilespmem:$0x14F00] =	vst v63  }
0x251: {  	s25 =	sadd.s32 $0xFA88, s7;
	s26 =	sadd.s32 $0x10, s10  }
0x252: {  	[hbm4b:s26+s3] =	stream.linear.scatter [tilespmem:s25], [sflag:$0x4], $0x80, $0x38;
	[tilespmem:$0x14F00] =	vst v63  }
0x253: {  	s19 =	sadd.s32 $0xFB10, s7;
	s21 =	sadd.s32 $0x20, s10  }
0x254: {  	[hbm4b:s21+s3] =	stream.linear.scatter [tilespmem:s19], [sflag:$0x4], $0x80, $0x38;
	[tilespmem:$0x14F00] =	vst v63  }
0x255: {  	s23 =	sadd.s32 $0xFB98, s7;
	s24 =	sadd.s32 $0x30, s10  }
0x256: {  	[hbm4b:s24+s3] =	stream.linear.scatter [tilespmem:s23], [sflag:$0x4], $0x80, $0x38;
	[tilespmem:$0x14F00] =	vst v63  }
0x257: {  	s20 =	sadd.s32 $0x1, s20;
	s25 =	sadd.s32 $0xFC20, s7;
	s26 =	sadd.s32 $0x40, s10  }
0x258: {  	[hbm4b:s26+s3] =	stream.linear.scatter [tilespmem:s25], [sflag:$0x4], $0x80, $0x38;
	[tilespmem:$0x14F00] =	vst v63  }
0x259: {  	p0 =	sne.s32 s20, $0x14;
	s19 =	sadd.s32 $0xFCA8, s7;
	s21 =	sadd.s32 $0x50, s10  }
0x25a: {  	[hbm4b:s21+s3] =	stream.linear.scatter [tilespmem:s19], [sflag:$0x4], $0x80, $0x38;
	[tilespmem:$0x14F00] =	vst v63  }
.Ltmp32:
0x25b: {  	_ = 	snop;
	(pc) =	sbr.rel @p0 .LBB2_2-.Ltmp32, $4  }
.Ltmp33:
0x25c: {  	s23 =	sadd.s32 $0xFD30, s7;
	s24 =	sadd.s32 $0x60, s10;
	(pc) =	sbr.rel @!p0 .LBB2_61-.Ltmp33, $4  }
0x25d: {  	[hbm4b:s24+s3] =	stream.linear.scatter [tilespmem:s23], [sflag:$0x4], $0x80, $0x38;
	[tilespmem:$0x14F00] =	vst v63  }
0x25e: {  	s25 =	sadd.s32 $0xFDB8, s7;
	s26 =	sadd.s32 $0x70, s10  }
0x25f: {  	[hbm4b:s26+s3] =	stream.linear.scatter [tilespmem:s25], [sflag:$0x4], $0x80, $0x38;
	[tilespmem:$0x14F00] =	vst v63  }
0x260: {  	_ = 	snop  }
.LBB2_14:
.Ltmp34:
0x261: {  	(pc) =	sbr.rel .LBB2_21-.Ltmp34, $2  }
0x262: {  	_ =	sdelay $0x2  }
0x263: {  	s19 =	simm.s32 $0x3570;
	p1 =	por $0x0, $0x0  }
.LBB2_22:
.Ltmp35:
0x264: {  	(pc) =	sbr.rel .LBB2_29-.Ltmp35, $2  }
0x265: {  	_ =	sdelay $0x2  }
0x266: {  	s17 =	simm.s32 $0x4500  }
.LBB2_43:
.Ltmp36:
0x267: {  	(pc) =	sbr.rel .LBB2_50-.Ltmp36, $2  }
0x268: {  	_ =	sdelay $0x2  }
0x269: {  	s19 =	simm.s32 $0x8570;
	p1 =	por $0x0, $0x0  }
.LBB2_51:
.Ltmp37:
0x26a: {  	(pc) =	sbr.rel .LBB2_58-.Ltmp37, $2  }
0x26b: {  	_ =	sdelay $0x2  }
0x26c: {  	s17 =	simm.s32 $0x9500  }
.LBB2_8:
.Ltmp38:
0x26d: {  	(pc) =	sbr.rel .LBB2_13-.Ltmp38, $3  }
0x26e: {  	_ =	sdelay $0x1  }
0x26f: {  	s23 =	simm.s32 $0x2570  }
0x270: {  	s19 =	simm.s32 $0x4;
	s24 =	simm.s32 $0x2570;
	p3 =	por $0x0, $0x0  }
.LBB2_16:
.Ltmp39:
0x271: {  	(pc) =	sbr.rel .LBB2_21-.Ltmp39, $2  }
0x272: {  	_ =	sdelay $0x2  }
0x273: {  	s19 =	simm.s32 $0x3570;
	s7 =	simm.s32 $0x4;
	s17 =	simm.s32 $0x3570  }
.LBB2_24:
.Ltmp40:
0x274: {  	(pc) =	sbr.rel .LBB2_29-.Ltmp40, $2  }
0x275: {  	_ =	sdelay $0x2  }
0x276: {  	s17 =	simm.s32 $0x4500;
	s10 =	simm.s32 $0x4;
	s18 =	simm.s32 $0x4500  }
.LBB2_37:
.Ltmp41:
0x277: {  	(pc) =	sbr.rel .LBB2_42-.Ltmp41, $3  }
0x278: {  	_ =	sdelay $0x1  }
0x279: {  	s23 =	simm.s32 $0x7570  }
0x27a: {  	s19 =	simm.s32 $0x4;
	s24 =	simm.s32 $0x7570;
	p3 =	por $0x0, $0x0  }
.LBB2_45:
.Ltmp42:
0x27b: {  	(pc) =	sbr.rel .LBB2_50-.Ltmp42, $2  }
0x27c: {  	_ =	sdelay $0x2  }
0x27d: {  	s19 =	simm.s32 $0x8570;
	s7 =	simm.s32 $0x4;
	s17 =	simm.s32 $0x8570  }
.LBB2_53:
.Ltmp43:
0x27e: {  	(pc) =	sbr.rel .LBB2_58-.Ltmp43, $2  }
0x27f: {  	_ =	sdelay $0x2  }
0x280: {  	s17 =	simm.s32 $0x9500;
	s10 =	simm.s32 $0x4;
	s18 =	simm.s32 $0x9500  }
.LBB2_10:
.Ltmp44:
0x281: {  	(pc) =	sbr.rel .LBB2_13-.Ltmp44, $2  }
0x282: {  	_ =	sdelay $0x2  }
0x283: {  	s24 =	simm.s32 $0x25F0;
	v20 =	vmov v25;
	v18 =	vmov v24  }
.LBB2_18:
.Ltmp45:
0x284: {  	(pc) =	sbr.rel .LBB2_21-.Ltmp45, $2  }
0x285: {  	_ =	sdelay $0x2  }
0x286: {  	s17 =	simm.s32 $0x35F0;
	v20 =	vmov v25;
	v18 =	vmov v24  }
.LBB2_26:
.Ltmp46:
0x287: {  	(pc) =	sbr.rel .LBB2_29-.Ltmp46, $2  }
0x288: {  	_ =	sdelay $0x2  }
0x289: {  	s18 =	simm.s32 $0x4580;
	v20 =	vmov v25;
	v18 =	vmov v24  }
.LBB2_39:
.Ltmp47:
0x28a: {  	(pc) =	sbr.rel .LBB2_42-.Ltmp47, $2  }
0x28b: {  	_ =	sdelay $0x2  }
0x28c: {  	s24 =	simm.s32 $0x75F0;
	v20 =	vmov v25;
	v18 =	vmov v24  }
.LBB2_47:
.Ltmp48:
0x28d: {  	(pc) =	sbr.rel .LBB2_50-.Ltmp48, $2  }
0x28e: {  	_ =	sdelay $0x2  }
0x28f: {  	s17 =	simm.s32 $0x85F0;
	v20 =	vmov v25;
	v18 =	vmov v24  }
.LBB2_55:
.Ltmp49:
0x290: {  	(pc) =	sbr.rel .LBB2_58-.Ltmp49, $2  }
0x291: {  	_ =	sdelay $0x2  }
0x292: {  	s18 =	simm.s32 $0x9580;
	v20 =	vmov v25;
	v18 =	vmov v24  }
.LBB2_62:
0x293: {  	_ =	sfence.sel $0x180000  }
0x294: {  	[bflag:$0x0] =	sbarrier.arrive $0xFFFF  }
0x295: {  	_ =	strace $0x90000047  }
0x296: {  	s0 =	stileid.u32;
	[bflag:$0x2] =	sbarrier.arrive $0xFFFF  }
0x297: {  	p0 =	sne.s32 s0, $0x0;
	s0 =	rddreg [dreg:$0x2]  }
0x298: {  	s0 =	sadd.s32 @!p0 $0x100000, s0  }
0x299: {  	[sflag:s0] =	ssyncadd.tile.s32 @!p0 $0x1;
	_ =	shalt  }
.Lfunc_end2:
_tile_overlayer_lowered:
.L_overlay_start_2:
0x29a: {  	(tag) =	ssettag $0x2  }
0x29b: {  	s0 =	rddreg [dreg:$0x0];
	s2 =	stileid.u32  }
0x29c: {  	s1 =	rddreg [dreg:$0x1];
	p0 =	sne.s32 s2, $0x0  }
0x29d: {  	s3 =	rddreg [dreg:$0x2];
	[bflag:$0x3] =	sbarrier.arrive $0xFFFF;
	s2 =	simm.s32 @!p0 $0x1C05  }
0x29e: {  	[timem:s3], [sflag:s2] =	dma.local @!p0 [hbm:s0], s1  }
0x29f: {  	s0 =	simm.s32 @!p0 $0x5  }
0x2a0: {  	_ =	swait.ge @!p0 [sflag:s0], s1  }
0x2a1: {  	s1 =	ssub.s32 @!p0 $0x0, s1;
	[sflag:s0] =	ssyncset.done @!p0 $0x0  }
0x2a2: {  	[sflag:s0] =	ssyncadd.s32 @!p0 s1  }
0x2a3: {  	[bflag:$0x3] =	sbarrier.arrive $0xFFFF  }
0x2a4: {  	_ =	shalt  }

</sc_bundles>
